<compile_context>
chip_gen: v7x
topology: tpu7x:2x2x1
jax: 0.10.2.dev20260603
libtpu: 0.0.44.dev20260713+nightly
codegen_flags: <defaults>
</compile_context>

<pallas_src>
import dataclasses
import functools

import jax
import jax.numpy as jnp
from jax import lax
from jax.experimental import pallas as pl
from jax.experimental.pallas import tpu as pltpu
from jax.experimental.pallas import tpu_sc as plsc

_ROWS = 4096
_COLS = 200
_NW = 32
_ROWS_W = _ROWS // _NW
_CHUNK = 64
_LANES = 16
_COL_OFFS = (0, 16, 32, 48, 64, 80, 96, 112, 128, 144, 160, 176, 184)


def _compiler_params():
    cp = pltpu.CompilerParams(skip_device_barrier=True)
    if "needs_layout_passes" in pltpu.CompilerParams.__dataclass_fields__:
        cp = dataclasses.replace(cp, needs_layout_passes=False)
    return cp


@jax.jit
def _emb_gather(z, table):
    mesh = plsc.VectorSubcoreMesh(core_axis_name="c", subcore_axis_name="s")

    @functools.partial(
        pl.kernel,
        out_type=jax.ShapeDtypeStruct((_ROWS, _COLS), jnp.float32),
        mesh=mesh,
        scratch_types=[
            pltpu.VMEM((128,), jnp.float32),
            pltpu.VMEM((_CHUNK, _COLS), jnp.int32),
            pltpu.VMEM((_CHUNK, _COLS), jnp.int32),
            pltpu.VMEM((_CHUNK, _COLS), jnp.float32),
            pltpu.VMEM((_CHUNK, _COLS), jnp.float32),
            pltpu.SemaphoreType.DMA,
            pltpu.SemaphoreType.DMA,
            pltpu.SemaphoreType.DMA,
            pltpu.SemaphoreType.DMA,
        ],
        compiler_params=_compiler_params(),
    )
    def body(table_hbm, z_hbm, out_hbm, table_v,
             idx_a, idx_b, val_a, val_b, s_ia, s_ib, s_oa, s_ob):
        wid = lax.axis_index("s") * 2 + lax.axis_index("c")
        r0 = wid * _ROWS_W

        in0 = pltpu.async_copy(z_hbm.at[pl.ds(r0, _CHUNK)], idx_a, s_ia)
        in1 = pltpu.async_copy(z_hbm.at[pl.ds(r0 + _CHUNK, _CHUNK)], idx_b, s_ib)
        pltpu.sync_copy(table_hbm, table_v.at[pl.ds(0, 120)])

        def gather_chunk(idx_v, val_v):
            @plsc.parallel_loop(0, _CHUNK, step=1, unroll=2)
            def _(r):
                for c in _COL_OFFS:
                    idx = idx_v[r, pl.ds(c, _LANES)]
                    val_v[r, pl.ds(c, _LANES)] = plsc.load_gather(table_v, [idx])

        in0.wait()
        gather_chunk(idx_a, val_a)
        out0 = pltpu.async_copy(val_a, out_hbm.at[pl.ds(r0, _CHUNK)], s_oa)

        in1.wait()
        gather_chunk(idx_b, val_b)
        out1 = pltpu.async_copy(val_b, out_hbm.at[pl.ds(r0 + _CHUNK, _CHUNK)], s_ob)

        out0.wait()
        out1.wait()

    return body(table, z)


def kernel(z, atomic_temp):
    return _emb_gather(z.astype(jnp.int32), atomic_temp)

# --- scband reference (transcript-rebuilt; emitter-appended) ---
"""Pipeline reference for scband-emb-atoms-prop-37194416783647 (READ-ONLY COPY).

The authoritative reference and input builder live on the scoring server;
editing this copy changes nothing except your own understanding.
"""

import jax, jax.numpy as jnp
import numpy as np


def setup_inputs(seed: int = 0) -> dict:
    key = jax.random.key(seed)
    k1, k2 = jax.random.split(key)
    # z: atomic numbers for a large batch of atoms, values in [0, 120)
    z = jax.random.randint(k1, (4096, 200), 0, 120, dtype=jnp.int64)
    # atomic_temp: the registered buffer, a (120,) table of per-element properties
    # (stand-in for ase covalent_radii; random positive values)
    atomic_temp = jax.random.uniform(k2, (120,), dtype=jnp.float32) * 2.0 + 0.3
    return {"z": z, "atomic_temp": atomic_temp}


def reference(z, atomic_temp):
    # forward: self.atomic_temp[z] -> gather rows (scalars) from the 120-entry table
    return jnp.take(atomic_temp, z, axis=0)

if __name__ == "__main__":
    import jax
    _d = setup_inputs()
    print(jax.jit(kernel)(*tuple(_d.values())))

</pallas_src>

<mosaic_0001>
#map = affine_map<(d0, d1) -> (0)>
#map1 = affine_map<(d0, d1) -> (0, 0)>
module attributes {stable_mosaic.version = 14 : i64} {
  func.func @body(%arg0: i32, %arg1: i32, %arg2: memref<120xf32, #tpu.memory_space<hbm>>, %arg3: memref<4096x200xi32, #tpu.memory_space<hbm>>, %arg4: memref<4096x200xf32, #tpu.memory_space<hbm>>, %arg5: memref<128xf32, #tpu.memory_space<vmem>>, %arg6: memref<64x200xi32, #tpu.memory_space<vmem>>, %arg7: memref<64x200xi32, #tpu.memory_space<vmem>>, %arg8: memref<64x200xf32, #tpu.memory_space<vmem>>, %arg9: memref<64x200xf32, #tpu.memory_space<vmem>>, %arg10: memref<!tpu.dma_semaphore, #tpu.memory_space<semaphore_mem>>, %arg11: memref<!tpu.dma_semaphore, #tpu.memory_space<semaphore_mem>>, %arg12: memref<!tpu.dma_semaphore, #tpu.memory_space<semaphore_mem>>, %arg13: memref<!tpu.dma_semaphore, #tpu.memory_space<semaphore_mem>>) attributes {dimension_semantics = [#tpu.dimension_semantics<core_parallel>, #tpu.dimension_semantics<subcore_parallel>], iteration_bounds = array<i64: 2, 16>, scalar_prefetch = 0 : i64, scratch_operands = 9 : i64, tpu.core_type = #tpu.core_type<sc_vector_subcore>, window_params = [{transform_indices = #map}, {transform_indices = #map1}, {transform_indices = #map1}]} {
    %mul3A = arith.constant 2 : i32
    %mul3A_0 = arith.muli %arg1, %mul3A : i32
    %add3A = arith.addi %mul3A_0, %arg0 : i32
    %mul3A_1 = arith.constant 128 : i32
    %mul3A_2 = arith.muli %add3A, %mul3A_1 : i32
    %dma_start3A = arith.constant 0 : i32
    %dma_start3A_3 = tpu.memref_slice %arg3[%mul3A_2, %dma_start3A] : memref<4096x200xi32, #tpu.memory_space<hbm>> -> memref<64x200xi32, #tpu.memory_space<hbm>>
    %dma_start3A_4 = arith.constant 0 : i32
    %dma_start3A_5 = tpu.memref_slice %arg3[%mul3A_2, %dma_start3A_4] : memref<4096x200xi32, #tpu.memory_space<hbm>> -> memref<64x200xi32, #tpu.memory_space<hbm>>
    tpu.enqueue_dma source(%dma_start3A_5 : memref<64x200xi32, #tpu.memory_space<hbm>>) target(%arg6 : memref<64x200xi32, #tpu.memory_space<vmem>>) target_semaphore(%arg10 : memref<!tpu.dma_semaphore, #tpu.memory_space<semaphore_mem>>)
    %add3A_6 = arith.constant 64 : i32
    %add3A_7 = arith.addi %mul3A_2, %add3A_6 : i32
    %dma_start3A_8 = arith.constant 0 : i32
    %dma_start3A_9 = tpu.memref_slice %arg3[%add3A_7, %dma_start3A_8] : memref<4096x200xi32, #tpu.memory_space<hbm>> -> memref<64x200xi32, #tpu.memory_space<hbm>>
    %dma_start3A_10 = arith.constant 0 : i32
    %dma_start3A_11 = tpu.memref_slice %arg3[%add3A_7, %dma_start3A_10] : memref<4096x200xi32, #tpu.memory_space<hbm>> -> memref<64x200xi32, #tpu.memory_space<hbm>>
    tpu.enqueue_dma source(%dma_start3A_11 : memref<64x200xi32, #tpu.memory_space<hbm>>) target(%arg7 : memref<64x200xi32, #tpu.memory_space<vmem>>) target_semaphore(%arg11 : memref<!tpu.dma_semaphore, #tpu.memory_space<semaphore_mem>>)
    "tpu.region"() ({
      %run_scoped3A = tpu.sem_alloc : memref<!tpu.dma_semaphore, #tpu.memory_space<semaphore_mem>>
      %dma_start3A_42 = arith.constant 0 : i32
      %dma_start3A_43 = tpu.memref_slice %arg5[%dma_start3A_42] : memref<128xf32, #tpu.memory_space<vmem>> -> memref<120xf32, #tpu.memory_space<vmem>>
      %dma_start3A_44 = arith.constant 0 : i32
      %dma_start3A_45 = tpu.memref_slice %arg5[%dma_start3A_44] : memref<128xf32, #tpu.memory_space<vmem>> -> memref<120xf32, #tpu.memory_space<vmem>>
      tpu.enqueue_dma source(%arg2 : memref<120xf32, #tpu.memory_space<hbm>>) target(%dma_start3A_45 : memref<120xf32, #tpu.memory_space<vmem>>) target_semaphore(%run_scoped3A : memref<!tpu.dma_semaphore, #tpu.memory_space<semaphore_mem>>)
      %dma_wait3A_46 = arith.constant 0 : i32
      %dma_wait3A_47 = tpu.memref_slice %arg5[%dma_wait3A_46] : memref<128xf32, #tpu.memory_space<vmem>> -> memref<120xf32, #tpu.memory_space<vmem>>
      %dma_wait3A_48 = arith.constant 0 : i32
      %dma_wait3A_49 = tpu.memref_slice %arg5[%dma_wait3A_48] : memref<128xf32, #tpu.memory_space<vmem>> -> memref<120xf32, #tpu.memory_space<vmem>>
      tpu.wait_dma2 semaphore(%run_scoped3A : memref<!tpu.dma_semaphore, #tpu.memory_space<semaphore_mem>>) src(%arg2 : memref<120xf32, #tpu.memory_space<hbm>>) dst(%dma_wait3A_49 : memref<120xf32, #tpu.memory_space<vmem>>)
      tpu.yield
    }) : () -> ()
    %dma_wait3A = arith.constant 0 : i32
    %dma_wait3A_12 = tpu.memref_slice %arg3[%mul3A_2, %dma_wait3A] : memref<4096x200xi32, #tpu.memory_space<hbm>> -> memref<64x200xi32, #tpu.memory_space<hbm>>
    %dma_wait3A_13 = arith.constant 0 : i32
    %dma_wait3A_14 = tpu.memref_slice %arg3[%mul3A_2, %dma_wait3A_13] : memref<4096x200xi32, #tpu.memory_space<hbm>> -> memref<64x200xi32, #tpu.memory_space<hbm>>
    tpu.wait_dma2 semaphore(%arg10 : memref<!tpu.dma_semaphore, #tpu.memory_space<semaphore_mem>>) src(%dma_wait3A_14 : memref<64x200xi32, #tpu.memory_space<hbm>>) dst(%arg6 : memref<64x200xi32, #tpu.memory_space<vmem>>)
    %parallel_loop3A = arith.constant 0 : i32
    %parallel_loop3A_15 = arith.constant 64 : i32
    %parallel_loop3A_16 = arith.constant 1 : i32
    scf.for %parallel_loop3A_42 = %parallel_loop3A to %parallel_loop3A_15 step %parallel_loop3A_16  : i32 {
      %parallel_loop3A_43 = arith.index_cast %parallel_loop3A_42 : i32 to index
      %parallel_loop3A_44 = arith.constant 0 : index
      %parallel_loop3A_45 = tpu.vector_load %arg6[%parallel_loop3A_43, %parallel_loop3A_44] {strides = array<i32>} : memref<64x200xi32, #tpu.memory_space<vmem>>, vector<16xi32>,
      %parallel_loop3A_46 = tpu.vector_load_idx %arg5[%parallel_loop3A_45] : memref<128xf32, #tpu.memory_space<vmem>>[vector<16xi32>], vector<16xf32>,
      %parallel_loop3A_47 = arith.index_cast %parallel_loop3A_42 : i32 to index
      %parallel_loop3A_48 = arith.constant 0 : index
      %parallel_loop3A_49 = tpu.vector_load %arg8[%parallel_loop3A_47, %parallel_loop3A_48] {strides = array<i32>} : memref<64x200xf32, #tpu.memory_space<vmem>>, vector<16xf32>,
      tpu.vector_store %arg8[%parallel_loop3A_47, %parallel_loop3A_48], %parallel_loop3A_46 {strides = array<i32>} : memref<64x200xf32, #tpu.memory_space<vmem>>, vector<16xf32>,
      %parallel_loop3A_50 = arith.index_cast %parallel_loop3A_42 : i32 to index
      %parallel_loop3A_51 = arith.constant 16 : index
      %parallel_loop3A_52 = tpu.vector_load %arg6[%parallel_loop3A_50, %parallel_loop3A_51] {strides = array<i32>} : memref<64x200xi32, #tpu.memory_space<vmem>>, vector<16xi32>,
      %parallel_loop3A_53 = tpu.vector_load_idx %arg5[%parallel_loop3A_52] : memref<128xf32, #tpu.memory_space<vmem>>[vector<16xi32>], vector<16xf32>,
      %parallel_loop3A_54 = arith.index_cast %parallel_loop3A_42 : i32 to index
      %parallel_loop3A_55 = arith.constant 16 : index
      %parallel_loop3A_56 = tpu.vector_load %arg8[%parallel_loop3A_54, %parallel_loop3A_55] {strides = array<i32>} : memref<64x200xf32, #tpu.memory_space<vmem>>, vector<16xf32>,
      tpu.vector_store %arg8[%parallel_loop3A_54, %parallel_loop3A_55], %parallel_loop3A_53 {strides = array<i32>} : memref<64x200xf32, #tpu.memory_space<vmem>>, vector<16xf32>,
      %parallel_loop3A_57 = arith.index_cast %parallel_loop3A_42 : i32 to index
      %parallel_loop3A_58 = arith.constant 32 : index
      %parallel_loop3A_59 = tpu.vector_load %arg6[%parallel_loop3A_57, %parallel_loop3A_58] {strides = array<i32>} : memref<64x200xi32, #tpu.memory_space<vmem>>, vector<16xi32>,
      %parallel_loop3A_60 = tpu.vector_load_idx %arg5[%parallel_loop3A_59] : memref<128xf32, #tpu.memory_space<vmem>>[vector<16xi32>], vector<16xf32>,
      %parallel_loop3A_61 = arith.index_cast %parallel_loop3A_42 : i32 to index
      %parallel_loop3A_62 = arith.constant 32 : index
      %parallel_loop3A_63 = tpu.vector_load %arg8[%parallel_loop3A_61, %parallel_loop3A_62] {strides = array<i32>} : memref<64x200xf32, #tpu.memory_space<vmem>>, vector<16xf32>,
      tpu.vector_store %arg8[%parallel_loop3A_61, %parallel_loop3A_62], %parallel_loop3A_60 {strides = array<i32>} : memref<64x200xf32, #tpu.memory_space<vmem>>, vector<16xf32>,
      %parallel_loop3A_64 = arith.index_cast %parallel_loop3A_42 : i32 to index
      %parallel_loop3A_65 = arith.constant 48 : index
      %parallel_loop3A_66 = tpu.vector_load %arg6[%parallel_loop3A_64, %parallel_loop3A_65] {strides = array<i32>} : memref<64x200xi32, #tpu.memory_space<vmem>>, vector<16xi32>,
      %parallel_loop3A_67 = tpu.vector_load_idx %arg5[%parallel_loop3A_66] : memref<128xf32, #tpu.memory_space<vmem>>[vector<16xi32>], vector<16xf32>,
      %parallel_loop3A_68 = arith.index_cast %parallel_loop3A_42 : i32 to index
      %parallel_loop3A_69 = arith.constant 48 : index
      %parallel_loop3A_70 = tpu.vector_load %arg8[%parallel_loop3A_68, %parallel_loop3A_69] {strides = array<i32>} : memref<64x200xf32, #tpu.memory_space<vmem>>, vector<16xf32>,
      tpu.vector_store %arg8[%parallel_loop3A_68, %parallel_loop3A_69], %parallel_loop3A_67 {strides = array<i32>} : memref<64x200xf32, #tpu.memory_space<vmem>>, vector<16xf32>,
      %parallel_loop3A_71 = arith.index_cast %parallel_loop3A_42 : i32 to index
      %parallel_loop3A_72 = arith.constant 64 : index
      %parallel_loop3A_73 = tpu.vector_load %arg6[%parallel_loop3A_71, %parallel_loop3A_72] {strides = array<i32>} : memref<64x200xi32, #tpu.memory_space<vmem>>, vector<16xi32>,
      %parallel_loop3A_74 = tpu.vector_load_idx %arg5[%parallel_loop3A_73] : memref<128xf32, #tpu.memory_space<vmem>>[vector<16xi32>], vector<16xf32>,
      %parallel_loop3A_75 = arith.index_cast %parallel_loop3A_42 : i32 to index
      %parallel_loop3A_76 = arith.constant 64 : index
      %parallel_loop3A_77 = tpu.vector_load %arg8[%parallel_loop3A_75, %parallel_loop3A_76] {strides = array<i32>} : memref<64x200xf32, #tpu.memory_space<vmem>>, vector<16xf32>,
      tpu.vector_store %arg8[%parallel_loop3A_75, %parallel_loop3A_76], %parallel_loop3A_74 {strides = array<i32>} : memref<64x200xf32, #tpu.memory_space<vmem>>, vector<16xf32>,
      %parallel_loop3A_78 = arith.index_cast %parallel_loop3A_42 : i32 to index
      %parallel_loop3A_79 = arith.constant 80 : index
      %parallel_loop3A_80 = tpu.vector_load %arg6[%parallel_loop3A_78, %parallel_loop3A_79] {strides = array<i32>} : memref<64x200xi32, #tpu.memory_space<vmem>>, vector<16xi32>,
      %parallel_loop3A_81 = tpu.vector_load_idx %arg5[%parallel_loop3A_80] : memref<128xf32, #tpu.memory_space<vmem>>[vector<16xi32>], vector<16xf32>,
      %parallel_loop3A_82 = arith.index_cast %parallel_loop3A_42 : i32 to index
      %parallel_loop3A_83 = arith.constant 80 : index
      %parallel_loop3A_84 = tpu.vector_load %arg8[%parallel_loop3A_82, %parallel_loop3A_83] {strides = array<i32>} : memref<64x200xf32, #tpu.memory_space<vmem>>, vector<16xf32>,
      tpu.vector_store %arg8[%parallel_loop3A_82, %parallel_loop3A_83], %parallel_loop3A_81 {strides = array<i32>} : memref<64x200xf32, #tpu.memory_space<vmem>>, vector<16xf32>,
      %parallel_loop3A_85 = arith.index_cast %parallel_loop3A_42 : i32 to index
      %parallel_loop3A_86 = arith.constant 96 : index
      %parallel_loop3A_87 = tpu.vector_load %arg6[%parallel_loop3A_85, %parallel_loop3A_86] {strides = array<i32>} : memref<64x200xi32, #tpu.memory_space<vmem>>, vector<16xi32>,
      %parallel_loop3A_88 = tpu.vector_load_idx %arg5[%parallel_loop3A_87] : memref<128xf32, #tpu.memory_space<vmem>>[vector<16xi32>], vector<16xf32>,
      %parallel_loop3A_89 = arith.index_cast %parallel_loop3A_42 : i32 to index
      %parallel_loop3A_90 = arith.constant 96 : index
      %parallel_loop3A_91 = tpu.vector_load %arg8[%parallel_loop3A_89, %parallel_loop3A_90] {strides = array<i32>} : memref<64x200xf32, #tpu.memory_space<vmem>>, vector<16xf32>,
      tpu.vector_store %arg8[%parallel_loop3A_89, %parallel_loop3A_90], %parallel_loop3A_88 {strides = array<i32>} : memref<64x200xf32, #tpu.memory_space<vmem>>, vector<16xf32>,
      %parallel_loop3A_92 = arith.index_cast %parallel_loop3A_42 : i32 to index
      %parallel_loop3A_93 = arith.constant 112 : index
      %parallel_loop3A_94 = tpu.vector_load %arg6[%parallel_loop3A_92, %parallel_loop3A_93] {strides = array<i32>} : memref<64x200xi32, #tpu.memory_space<vmem>>, vector<16xi32>,
      %parallel_loop3A_95 = tpu.vector_load_idx %arg5[%parallel_loop3A_94] : memref<128xf32, #tpu.memory_space<vmem>>[vector<16xi32>], vector<16xf32>,
      %parallel_loop3A_96 = arith.index_cast %parallel_loop3A_42 : i32 to index
      %parallel_loop3A_97 = arith.constant 112 : index
      %parallel_loop3A_98 = tpu.vector_load %arg8[%parallel_loop3A_96, %parallel_loop3A_97] {strides = array<i32>} : memref<64x200xf32, #tpu.memory_space<vmem>>, vector<16xf32>,
      tpu.vector_store %arg8[%parallel_loop3A_96, %parallel_loop3A_97], %parallel_loop3A_95 {strides = array<i32>} : memref<64x200xf32, #tpu.memory_space<vmem>>, vector<16xf32>,
      %parallel_loop3A_99 = arith.index_cast %parallel_loop3A_42 : i32 to index
      %parallel_loop3A_100 = arith.constant 128 : index
      %parallel_loop3A_101 = tpu.vector_load %arg6[%parallel_loop3A_99, %parallel_loop3A_100] {strides = array<i32>} : memref<64x200xi32, #tpu.memory_space<vmem>>, vector<16xi32>,
      %parallel_loop3A_102 = tpu.vector_load_idx %arg5[%parallel_loop3A_101] : memref<128xf32, #tpu.memory_space<vmem>>[vector<16xi32>], vector<16xf32>,
      %parallel_loop3A_103 = arith.index_cast %parallel_loop3A_42 : i32 to index
      %parallel_loop3A_104 = arith.constant 128 : index
      %parallel_loop3A_105 = tpu.vector_load %arg8[%parallel_loop3A_103, %parallel_loop3A_104] {strides = array<i32>} : memref<64x200xf32, #tpu.memory_space<vmem>>, vector<16xf32>,
      tpu.vector_store %arg8[%parallel_loop3A_103, %parallel_loop3A_104], %parallel_loop3A_102 {strides = array<i32>} : memref<64x200xf32, #tpu.memory_space<vmem>>, vector<16xf32>,
      %parallel_loop3A_106 = arith.index_cast %parallel_loop3A_42 : i32 to index
      %parallel_loop3A_107 = arith.constant 144 : index
      %parallel_loop3A_108 = tpu.vector_load %arg6[%parallel_loop3A_106, %parallel_loop3A_107] {strides = array<i32>} : memref<64x200xi32, #tpu.memory_space<vmem>>, vector<16xi32>,
      %parallel_loop3A_109 = tpu.vector_load_idx %arg5[%parallel_loop3A_108] : memref<128xf32, #tpu.memory_space<vmem>>[vector<16xi32>], vector<16xf32>,
      %parallel_loop3A_110 = arith.index_cast %parallel_loop3A_42 : i32 to index
      %parallel_loop3A_111 = arith.constant 144 : index
      %parallel_loop3A_112 = tpu.vector_load %arg8[%parallel_loop3A_110, %parallel_loop3A_111] {strides = array<i32>} : memref<64x200xf32, #tpu.memory_space<vmem>>, vector<16xf32>,
      tpu.vector_store %arg8[%parallel_loop3A_110, %parallel_loop3A_111], %parallel_loop3A_109 {strides = array<i32>} : memref<64x200xf32, #tpu.memory_space<vmem>>, vector<16xf32>,
      %parallel_loop3A_113 = arith.index_cast %parallel_loop3A_42 : i32 to index
      %parallel_loop3A_114 = arith.constant 160 : index
      %parallel_loop3A_115 = tpu.vector_load %arg6[%parallel_loop3A_113, %parallel_loop3A_114] {strides = array<i32>} : memref<64x200xi32, #tpu.memory_space<vmem>>, vector<16xi32>,
      %parallel_loop3A_116 = tpu.vector_load_idx %arg5[%parallel_loop3A_115] : memref<128xf32, #tpu.memory_space<vmem>>[vector<16xi32>], vector<16xf32>,
      %parallel_loop3A_117 = arith.index_cast %parallel_loop3A_42 : i32 to index
      %parallel_loop3A_118 = arith.constant 160 : index
      %parallel_loop3A_119 = tpu.vector_load %arg8[%parallel_loop3A_117, %parallel_loop3A_118] {strides = array<i32>} : memref<64x200xf32, #tpu.memory_space<vmem>>, vector<16xf32>,
      tpu.vector_store %arg8[%parallel_loop3A_117, %parallel_loop3A_118], %parallel_loop3A_116 {strides = array<i32>} : memref<64x200xf32, #tpu.memory_space<vmem>>, vector<16xf32>,
      %parallel_loop3A_120 = arith.index_cast %parallel_loop3A_42 : i32 to index
      %parallel_loop3A_121 = arith.constant 176 : index
      %parallel_loop3A_122 = tpu.vector_load %arg6[%parallel_loop3A_120, %parallel_loop3A_121] {strides = array<i32>} : memref<64x200xi32, #tpu.memory_space<vmem>>, vector<16xi32>,
      %parallel_loop3A_123 = tpu.vector_load_idx %arg5[%parallel_loop3A_122] : memref<128xf32, #tpu.memory_space<vmem>>[vector<16xi32>], vector<16xf32>,
      %parallel_loop3A_124 = arith.index_cast %parallel_loop3A_42 : i32 to index
      %parallel_loop3A_125 = arith.constant 176 : index
      %parallel_loop3A_126 = tpu.vector_load %arg8[%parallel_loop3A_124, %parallel_loop3A_125] {strides = array<i32>} : memref<64x200xf32, #tpu.memory_space<vmem>>, vector<16xf32>,
      tpu.vector_store %arg8[%parallel_loop3A_124, %parallel_loop3A_125], %parallel_loop3A_123 {strides = array<i32>} : memref<64x200xf32, #tpu.memory_space<vmem>>, vector<16xf32>,
      %parallel_loop3A_127 = arith.index_cast %parallel_loop3A_42 : i32 to index
      %parallel_loop3A_128 = arith.constant 184 : index
      %parallel_loop3A_129 = tpu.vector_load %arg6[%parallel_loop3A_127, %parallel_loop3A_128] {strides = array<i32>} : memref<64x200xi32, #tpu.memory_space<vmem>>, vector<16xi32>,
      %parallel_loop3A_130 = tpu.vector_load_idx %arg5[%parallel_loop3A_129] : memref<128xf32, #tpu.memory_space<vmem>>[vector<16xi32>], vector<16xf32>,
      %parallel_loop3A_131 = arith.index_cast %parallel_loop3A_42 : i32 to index
      %parallel_loop3A_132 = arith.constant 184 : index
      %parallel_loop3A_133 = tpu.vector_load %arg8[%parallel_loop3A_131, %parallel_loop3A_132] {strides = array<i32>} : memref<64x200xf32, #tpu.memory_space<vmem>>, vector<16xf32>,
      tpu.vector_store %arg8[%parallel_loop3A_131, %parallel_loop3A_132], %parallel_loop3A_130 {strides = array<i32>} : memref<64x200xf32, #tpu.memory_space<vmem>>, vector<16xf32>,
    } {sc.loop_unroll_factor = 2 : i64, sc.parallel_access}
    %dma_start3A_17 = arith.constant 0 : i32
    %dma_start3A_18 = tpu.memref_slice %arg4[%mul3A_2, %dma_start3A_17] : memref<4096x200xf32, #tpu.memory_space<hbm>> -> memref<64x200xf32, #tpu.memory_space<hbm>>
    %dma_start3A_19 = arith.constant 0 : i32
    %dma_start3A_20 = tpu.memref_slice %arg4[%mul3A_2, %dma_start3A_19] : memref<4096x200xf32, #tpu.memory_space<hbm>> -> memref<64x200xf32, #tpu.memory_space<hbm>>
    tpu.enqueue_dma source(%arg8 : memref<64x200xf32, #tpu.memory_space<vmem>>) target(%dma_start3A_20 : memref<64x200xf32, #tpu.memory_space<hbm>>) target_semaphore(%arg12 : memref<!tpu.dma_semaphore, #tpu.memory_space<semaphore_mem>>)
    %dma_wait3A_21 = arith.constant 0 : i32
    %dma_wait3A_22 = tpu.memref_slice %arg3[%add3A_7, %dma_wait3A_21] : memref<4096x200xi32, #tpu.memory_space<hbm>> -> memref<64x200xi32, #tpu.memory_space<hbm>>
    %dma_wait3A_23 = arith.constant 0 : i32
    %dma_wait3A_24 = tpu.memref_slice %arg3[%add3A_7, %dma_wait3A_23] : memref<4096x200xi32, #tpu.memory_space<hbm>> -> memref<64x200xi32, #tpu.memory_space<hbm>>
    tpu.wait_dma2 semaphore(%arg11 : memref<!tpu.dma_semaphore, #tpu.memory_space<semaphore_mem>>) src(%dma_wait3A_24 : memref<64x200xi32, #tpu.memory_space<hbm>>) dst(%arg7 : memref<64x200xi32, #tpu.memory_space<vmem>>)
    %parallel_loop3A_25 = arith.constant 0 : i32
    %parallel_loop3A_26 = arith.constant 64 : i32
    %parallel_loop3A_27 = arith.constant 1 : i32
    scf.for %parallel_loop3A_42 = %parallel_loop3A_25 to %parallel_loop3A_26 step %parallel_loop3A_27  : i32 {
      %parallel_loop3A_43 = arith.index_cast %parallel_loop3A_42 : i32 to index
      %parallel_loop3A_44 = arith.constant 0 : index
      %parallel_loop3A_45 = tpu.vector_load %arg7[%parallel_loop3A_43, %parallel_loop3A_44] {strides = array<i32>} : memref<64x200xi32, #tpu.memory_space<vmem>>, vector<16xi32>,
      %parallel_loop3A_46 = tpu.vector_load_idx %arg5[%parallel_loop3A_45] : memref<128xf32, #tpu.memory_space<vmem>>[vector<16xi32>], vector<16xf32>,
      %parallel_loop3A_47 = arith.index_cast %parallel_loop3A_42 : i32 to index
      %parallel_loop3A_48 = arith.constant 0 : index
      %parallel_loop3A_49 = tpu.vector_load %arg9[%parallel_loop3A_47, %parallel_loop3A_48] {strides = array<i32>} : memref<64x200xf32, #tpu.memory_space<vmem>>, vector<16xf32>,
      tpu.vector_store %arg9[%parallel_loop3A_47, %parallel_loop3A_48], %parallel_loop3A_46 {strides = array<i32>} : memref<64x200xf32, #tpu.memory_space<vmem>>, vector<16xf32>,
      %parallel_loop3A_50 = arith.index_cast %parallel_loop3A_42 : i32 to index
      %parallel_loop3A_51 = arith.constant 16 : index
      %parallel_loop3A_52 = tpu.vector_load %arg7[%parallel_loop3A_50, %parallel_loop3A_51] {strides = array<i32>} : memref<64x200xi32, #tpu.memory_space<vmem>>, vector<16xi32>,
      %parallel_loop3A_53 = tpu.vector_load_idx %arg5[%parallel_loop3A_52] : memref<128xf32, #tpu.memory_space<vmem>>[vector<16xi32>], vector<16xf32>,
      %parallel_loop3A_54 = arith.index_cast %parallel_loop3A_42 : i32 to index
      %parallel_loop3A_55 = arith.constant 16 : index
      %parallel_loop3A_56 = tpu.vector_load %arg9[%parallel_loop3A_54, %parallel_loop3A_55] {strides = array<i32>} : memref<64x200xf32, #tpu.memory_space<vmem>>, vector<16xf32>,
      tpu.vector_store %arg9[%parallel_loop3A_54, %parallel_loop3A_55], %parallel_loop3A_53 {strides = array<i32>} : memref<64x200xf32, #tpu.memory_space<vmem>>, vector<16xf32>,
      %parallel_loop3A_57 = arith.index_cast %parallel_loop3A_42 : i32 to index
      %parallel_loop3A_58 = arith.constant 32 : index
      %parallel_loop3A_59 = tpu.vector_load %arg7[%parallel_loop3A_57, %parallel_loop3A_58] {strides = array<i32>} : memref<64x200xi32, #tpu.memory_space<vmem>>, vector<16xi32>,
      %parallel_loop3A_60 = tpu.vector_load_idx %arg5[%parallel_loop3A_59] : memref<128xf32, #tpu.memory_space<vmem>>[vector<16xi32>], vector<16xf32>,
      %parallel_loop3A_61 = arith.index_cast %parallel_loop3A_42 : i32 to index
      %parallel_loop3A_62 = arith.constant 32 : index
      %parallel_loop3A_63 = tpu.vector_load %arg9[%parallel_loop3A_61, %parallel_loop3A_62] {strides = array<i32>} : memref<64x200xf32, #tpu.memory_space<vmem>>, vector<16xf32>,
      tpu.vector_store %arg9[%parallel_loop3A_61, %parallel_loop3A_62], %parallel_loop3A_60 {strides = array<i32>} : memref<64x200xf32, #tpu.memory_space<vmem>>, vector<16xf32>,
      %parallel_loop3A_64 = arith.index_cast %parallel_loop3A_42 : i32 to index
      %parallel_loop3A_65 = arith.constant 48 : index
      %parallel_loop3A_66 = tpu.vector_load %arg7[%parallel_loop3A_64, %parallel_loop3A_65] {strides = array<i32>} : memref<64x200xi32, #tpu.memory_space<vmem>>, vector<16xi32>,
      %parallel_loop3A_67 = tpu.vector_load_idx %arg5[%parallel_loop3A_66] : memref<128xf32, #tpu.memory_space<vmem>>[vector<16xi32>], vector<16xf32>,
      %parallel_loop3A_68 = arith.index_cast %parallel_loop3A_42 : i32 to index
      %parallel_loop3A_69 = arith.constant 48 : index
      %parallel_loop3A_70 = tpu.vector_load %arg9[%parallel_loop3A_68, %parallel_loop3A_69] {strides = array<i32>} : memref<64x200xf32, #tpu.memory_space<vmem>>, vector<16xf32>,
      tpu.vector_store %arg9[%parallel_loop3A_68, %parallel_loop3A_69], %parallel_loop3A_67 {strides = array<i32>} : memref<64x200xf32, #tpu.memory_space<vmem>>, vector<16xf32>,
      %parallel_loop3A_71 = arith.index_cast %parallel_loop3A_42 : i32 to index
      %parallel_loop3A_72 = arith.constant 64 : index
      %parallel_loop3A_73 = tpu.vector_load %arg7[%parallel_loop3A_71, %parallel_loop3A_72] {strides = array<i32>} : memref<64x200xi32, #tpu.memory_space<vmem>>, vector<16xi32>,
      %parallel_loop3A_74 = tpu.vector_load_idx %arg5[%parallel_loop3A_73] : memref<128xf32, #tpu.memory_space<vmem>>[vector<16xi32>], vector<16xf32>,
      %parallel_loop3A_75 = arith.index_cast %parallel_loop3A_42 : i32 to index
      %parallel_loop3A_76 = arith.constant 64 : index
      %parallel_loop3A_77 = tpu.vector_load %arg9[%parallel_loop3A_75, %parallel_loop3A_76] {strides = array<i32>} : memref<64x200xf32, #tpu.memory_space<vmem>>, vector<16xf32>,
      tpu.vector_store %arg9[%parallel_loop3A_75, %parallel_loop3A_76], %parallel_loop3A_74 {strides = array<i32>} : memref<64x200xf32, #tpu.memory_space<vmem>>, vector<16xf32>,
      %parallel_loop3A_78 = arith.index_cast %parallel_loop3A_42 : i32 to index
      %parallel_loop3A_79 = arith.constant 80 : index
      %parallel_loop3A_80 = tpu.vector_load %arg7[%parallel_loop3A_78, %parallel_loop3A_79] {strides = array<i32>} : memref<64x200xi32, #tpu.memory_space<vmem>>, vector<16xi32>,
      %parallel_loop3A_81 = tpu.vector_load_idx %arg5[%parallel_loop3A_80] : memref<128xf32, #tpu.memory_space<vmem>>[vector<16xi32>], vector<16xf32>,
      %parallel_loop3A_82 = arith.index_cast %parallel_loop3A_42 : i32 to index
      %parallel_loop3A_83 = arith.constant 80 : index
      %parallel_loop3A_84 = tpu.vector_load %arg9[%parallel_loop3A_82, %parallel_loop3A_83] {strides = array<i32>} : memref<64x200xf32, #tpu.memory_space<vmem>>, vector<16xf32>,
      tpu.vector_store %arg9[%parallel_loop3A_82, %parallel_loop3A_83], %parallel_loop3A_81 {strides = array<i32>} : memref<64x200xf32, #tpu.memory_space<vmem>>, vector<16xf32>,
      %parallel_loop3A_85 = arith.index_cast %parallel_loop3A_42 : i32 to index
      %parallel_loop3A_86 = arith.constant 96 : index
      %parallel_loop3A_87 = tpu.vector_load %arg7[%parallel_loop3A_85, %parallel_loop3A_86] {strides = array<i32>} : memref<64x200xi32, #tpu.memory_space<vmem>>, vector<16xi32>,
      %parallel_loop3A_88 = tpu.vector_load_idx %arg5[%parallel_loop3A_87] : memref<128xf32, #tpu.memory_space<vmem>>[vector<16xi32>], vector<16xf32>,
      %parallel_loop3A_89 = arith.index_cast %parallel_loop3A_42 : i32 to index
      %parallel_loop3A_90 = arith.constant 96 : index
      %parallel_loop3A_91 = tpu.vector_load %arg9[%parallel_loop3A_89, %parallel_loop3A_90] {strides = array<i32>} : memref<64x200xf32, #tpu.memory_space<vmem>>, vector<16xf32>,
      tpu.vector_store %arg9[%parallel_loop3A_89, %parallel_loop3A_90], %parallel_loop3A_88 {strides = array<i32>} : memref<64x200xf32, #tpu.memory_space<vmem>>, vector<16xf32>,
      %parallel_loop3A_92 = arith.index_cast %parallel_loop3A_42 : i32 to index
      %parallel_loop3A_93 = arith.constant 112 : index
      %parallel_loop3A_94 = tpu.vector_load %arg7[%parallel_loop3A_92, %parallel_loop3A_93] {strides = array<i32>} : memref<64x200xi32, #tpu.memory_space<vmem>>, vector<16xi32>,
      %parallel_loop3A_95 = tpu.vector_load_idx %arg5[%parallel_loop3A_94] : memref<128xf32, #tpu.memory_space<vmem>>[vector<16xi32>], vector<16xf32>,
      %parallel_loop3A_96 = arith.index_cast %parallel_loop3A_42 : i32 to index
      %parallel_loop3A_97 = arith.constant 112 : index
      %parallel_loop3A_98 = tpu.vector_load %arg9[%parallel_loop3A_96, %parallel_loop3A_97] {strides = array<i32>} : memref<64x200xf32, #tpu.memory_space<vmem>>, vector<16xf32>,
      tpu.vector_store %arg9[%parallel_loop3A_96, %parallel_loop3A_97], %parallel_loop3A_95 {strides = array<i32>} : memref<64x200xf32, #tpu.memory_space<vmem>>, vector<16xf32>,
      %parallel_loop3A_99 = arith.index_cast %parallel_loop3A_42 : i32 to index
      %parallel_loop3A_100 = arith.constant 128 : index
      %parallel_loop3A_101 = tpu.vector_load %arg7[%parallel_loop3A_99, %parallel_loop3A_100] {strides = array<i32>} : memref<64x200xi32, #tpu.memory_space<vmem>>, vector<16xi32>,
      %parallel_loop3A_102 = tpu.vector_load_idx %arg5[%parallel_loop3A_101] : memref<128xf32, #tpu.memory_space<vmem>>[vector<16xi32>], vector<16xf32>,
      %parallel_loop3A_103 = arith.index_cast %parallel_loop3A_42 : i32 to index
      %parallel_loop3A_104 = arith.constant 128 : index
      %parallel_loop3A_105 = tpu.vector_load %arg9[%parallel_loop3A_103, %parallel_loop3A_104] {strides = array<i32>} : memref<64x200xf32, #tpu.memory_space<vmem>>, vector<16xf32>,
      tpu.vector_store %arg9[%parallel_loop3A_103, %parallel_loop3A_104], %parallel_loop3A_102 {strides = array<i32>} : memref<64x200xf32, #tpu.memory_space<vmem>>, vector<16xf32>,
      %parallel_loop3A_106 = arith.index_cast %parallel_loop3A_42 : i32 to index
      %parallel_loop3A_107 = arith.constant 144 : index
      %parallel_loop3A_108 = tpu.vector_load %arg7[%parallel_loop3A_106, %parallel_loop3A_107] {strides = array<i32>} : memref<64x200xi32, #tpu.memory_space<vmem>>, vector<16xi32>,
      %parallel_loop3A_109 = tpu.vector_load_idx %arg5[%parallel_loop3A_108] : memref<128xf32, #tpu.memory_space<vmem>>[vector<16xi32>], vector<16xf32>,
      %parallel_loop3A_110 = arith.index_cast %parallel_loop3A_42 : i32 to index
      %parallel_loop3A_111 = arith.constant 144 : index
      %parallel_loop3A_112 = tpu.vector_load %arg9[%parallel_loop3A_110, %parallel_loop3A_111] {strides = array<i32>} : memref<64x200xf32, #tpu.memory_space<vmem>>, vector<16xf32>,
      tpu.vector_store %arg9[%parallel_loop3A_110, %parallel_loop3A_111], %parallel_loop3A_109 {strides = array<i32>} : memref<64x200xf32, #tpu.memory_space<vmem>>, vector<16xf32>,
      %parallel_loop3A_113 = arith.index_cast %parallel_loop3A_42 : i32 to index
      %parallel_loop3A_114 = arith.constant 160 : index
      %parallel_loop3A_115 = tpu.vector_load %arg7[%parallel_loop3A_113, %parallel_loop3A_114] {strides = array<i32>} : memref<64x200xi32, #tpu.memory_space<vmem>>, vector<16xi32>,
      %parallel_loop3A_116 = tpu.vector_load_idx %arg5[%parallel_loop3A_115] : memref<128xf32, #tpu.memory_space<vmem>>[vector<16xi32>], vector<16xf32>,
      %parallel_loop3A_117 = arith.index_cast %parallel_loop3A_42 : i32 to index
      %parallel_loop3A_118 = arith.constant 160 : index
      %parallel_loop3A_119 = tpu.vector_load %arg9[%parallel_loop3A_117, %parallel_loop3A_118] {strides = array<i32>} : memref<64x200xf32, #tpu.memory_space<vmem>>, vector<16xf32>,
      tpu.vector_store %arg9[%parallel_loop3A_117, %parallel_loop3A_118], %parallel_loop3A_116 {strides = array<i32>} : memref<64x200xf32, #tpu.memory_space<vmem>>, vector<16xf32>,
      %parallel_loop3A_120 = arith.index_cast %parallel_loop3A_42 : i32 to index
      %parallel_loop3A_121 = arith.constant 176 : index
      %parallel_loop3A_122 = tpu.vector_load %arg7[%parallel_loop3A_120, %parallel_loop3A_121] {strides = array<i32>} : memref<64x200xi32, #tpu.memory_space<vmem>>, vector<16xi32>,
      %parallel_loop3A_123 = tpu.vector_load_idx %arg5[%parallel_loop3A_122] : memref<128xf32, #tpu.memory_space<vmem>>[vector<16xi32>], vector<16xf32>,
      %parallel_loop3A_124 = arith.index_cast %parallel_loop3A_42 : i32 to index
      %parallel_loop3A_125 = arith.constant 176 : index
      %parallel_loop3A_126 = tpu.vector_load %arg9[%parallel_loop3A_124, %parallel_loop3A_125] {strides = array<i32>} : memref<64x200xf32, #tpu.memory_space<vmem>>, vector<16xf32>,
      tpu.vector_store %arg9[%parallel_loop3A_124, %parallel_loop3A_125], %parallel_loop3A_123 {strides = array<i32>} : memref<64x200xf32, #tpu.memory_space<vmem>>, vector<16xf32>,
      %parallel_loop3A_127 = arith.index_cast %parallel_loop3A_42 : i32 to index
      %parallel_loop3A_128 = arith.constant 184 : index
      %parallel_loop3A_129 = tpu.vector_load %arg7[%parallel_loop3A_127, %parallel_loop3A_128] {strides = array<i32>} : memref<64x200xi32, #tpu.memory_space<vmem>>, vector<16xi32>,
      %parallel_loop3A_130 = tpu.vector_load_idx %arg5[%parallel_loop3A_129] : memref<128xf32, #tpu.memory_space<vmem>>[vector<16xi32>], vector<16xf32>,
      %parallel_loop3A_131 = arith.index_cast %parallel_loop3A_42 : i32 to index
      %parallel_loop3A_132 = arith.constant 184 : index
      %parallel_loop3A_133 = tpu.vector_load %arg9[%parallel_loop3A_131, %parallel_loop3A_132] {strides = array<i32>} : memref<64x200xf32, #tpu.memory_space<vmem>>, vector<16xf32>,
      tpu.vector_store %arg9[%parallel_loop3A_131, %parallel_loop3A_132], %parallel_loop3A_130 {strides = array<i32>} : memref<64x200xf32, #tpu.memory_space<vmem>>, vector<16xf32>,
    } {sc.loop_unroll_factor = 2 : i64, sc.parallel_access}
    %add3A_28 = arith.constant 64 : i32
    %add3A_29 = arith.addi %mul3A_2, %add3A_28 : i32
    %dma_start3A_30 = arith.constant 0 : i32
    %dma_start3A_31 = tpu.memref_slice %arg4[%add3A_29, %dma_start3A_30] : memref<4096x200xf32, #tpu.memory_space<hbm>> -> memref<64x200xf32, #tpu.memory_space<hbm>>
    %dma_start3A_32 = arith.constant 0 : i32
    %dma_start3A_33 = tpu.memref_slice %arg4[%add3A_29, %dma_start3A_32] : memref<4096x200xf32, #tpu.memory_space<hbm>> -> memref<64x200xf32, #tpu.memory_space<hbm>>
    tpu.enqueue_dma source(%arg9 : memref<64x200xf32, #tpu.memory_space<vmem>>) target(%dma_start3A_33 : memref<64x200xf32, #tpu.memory_space<hbm>>) target_semaphore(%arg13 : memref<!tpu.dma_semaphore, #tpu.memory_space<semaphore_mem>>)
    %dma_wait3A_34 = arith.constant 0 : i32
    %dma_wait3A_35 = tpu.memref_slice %arg4[%mul3A_2, %dma_wait3A_34] : memref<4096x200xf32, #tpu.memory_space<hbm>> -> memref<64x200xf32, #tpu.memory_space<hbm>>
    %dma_wait3A_36 = arith.constant 0 : i32
    %dma_wait3A_37 = tpu.memref_slice %arg4[%mul3A_2, %dma_wait3A_36] : memref<4096x200xf32, #tpu.memory_space<hbm>> -> memref<64x200xf32, #tpu.memory_space<hbm>>
    tpu.wait_dma2 semaphore(%arg12 : memref<!tpu.dma_semaphore, #tpu.memory_space<semaphore_mem>>) src(%arg8 : memref<64x200xf32, #tpu.memory_space<vmem>>) dst(%dma_wait3A_37 : memref<64x200xf32, #tpu.memory_space<hbm>>)
    %dma_wait3A_38 = arith.constant 0 : i32
    %dma_wait3A_39 = tpu.memref_slice %arg4[%add3A_29, %dma_wait3A_38] : memref<4096x200xf32, #tpu.memory_space<hbm>> -> memref<64x200xf32, #tpu.memory_space<hbm>>
    %dma_wait3A_40 = arith.constant 0 : i32
    %dma_wait3A_41 = tpu.memref_slice %arg4[%add3A_29, %dma_wait3A_40] : memref<4096x200xf32, #tpu.memory_space<hbm>> -> memref<64x200xf32, #tpu.memory_space<hbm>>
    tpu.wait_dma2 semaphore(%arg13 : memref<!tpu.dma_semaphore, #tpu.memory_space<semaphore_mem>>) src(%arg9 : memref<64x200xf32, #tpu.memory_space<vmem>>) dst(%dma_wait3A_41 : memref<64x200xf32, #tpu.memory_space<hbm>>)
    return
  }
}

</mosaic_0001>

<sc_bundles>
// kernel: _emb_gather.3.cloned.1.call-start
scs
__scs_entry_jumppad:
0x0: {  	(pc) =	sbr.rel $0x88, $3  }
0x1: {  	(tag) =	ssettag $0x0;
	lr =	simm.s32 $0x1  }
0x2: {  	[smem:$0x3F9F] =	sst lr;
	_ =	strace $0xD0000000  }
0x3: {  	_ = 	snop  }
0x4: {  	_ = 	snop  }
0x5: {  	_ = 	snop  }
0x6: {  	_ = 	snop  }
0x7: {  	_ = 	snop  }
__scs_overlays_trampoline_lowered:
0x8: {  	[smem:$0x3FAE] =	sst s0  }
0x9: {  	[smem:$0x3FAF] =	sst s1  }
0xa: {  	[smem:$0x3FB0] =	sst s2  }
0xb: {  	[smem:$0x3FB1] =	sst s3  }
0xc: {  	[smem:$0x3FB2] =	sst s4  }
0xd: {  	[smem:$0x3FB3] =	sst s5  }
0xe: {  	[smem:$0x3FB4] =	sst s6  }
0xf: {  	[smem:$0x3FB5] =	sst s7  }
0x10: {  	[smem:$0x3FB6] =	sst s8  }
0x11: {  	[smem:$0x3FB7] =	sst s9;
	s0 =	simm.s32 @!p0 $0x0  }
0x12: {  	s1 =	sld [smem:$0x3F9D];
	s0 =	simm.s32 @p0 $0x1  }
0x13: {  	[smem:$0x3FB8] =	sst s0;
	s0 =	simm.s32 @!p1 $0x0  }
0x14: {  	s2 =	sld [smem:$0x3F9C];
	s0 =	simm.s32 @p1 $0x1  }
0x15: {  	[smem:$0x3FB9] =	sst s0;
	s0 =	simm.s32 @!p2 $0x0  }
0x16: {  	s3 =	sld [smem:$0x3FDB];
	s0 =	simm.s32 @p2 $0x1  }
0x17: {  	s4 =	simm.s32 $0x1BF5;
	[smem:$0x3FBB] =	sst s0  }
0x18: {  	s0 =	sld [smem:$0x3F9E];
	_ =	swait.ge [sflag:s4], $0x0  }
0x19: {  	s7 =	sld [smem:$0x3F9F]  }
0x1a: {  	s8 =	sadd.s32 $0xFFFFE003, lr  }
0x1b: {  	s9 =	sadd.s32 $0xFFFFFEF7, lr;
	s5 =	simm.s32 $0xFFFFFFFF;
	p2 =	slt.u32 s8, $0xFFFFF086  }
0x1c: {  	p1 =	slt.u32 s9, $0xF7A;
	s5 =	simm.s32 @!p2 $0x0  }
0x1d: {  	s5 =	simm.s32 @p1 $0x1;
	p0 =	seq.s32 s7, s2  }
0x1e: {  	s7 =	smul.u32 @!p0 $0xF7A, s2;
	p2 =	seq.s32 @!p0 s5, $0x0  }
0x1f: {  	s9 =	smul.u32 $0xF7A, s1;
	s8 =	simm.s32 @!p0 $0x1BF5;
	p2 =	por !p2, p0  }
0x20: {  	[sflag:s8] =	ssyncset.s32 @!p0 $0xFFFFF086;
	s6 =	sadd.s32 @!p0 s3, s7;
	s7 =	simm.s32 @!p0 $0x108  }
0x21: {  	s3 =	sadd.s32 s3, s9;
	s6 =	sadd.s32 @!p0 $0x88, s6;
	s7 =	simm.s32 @p2 $0x1082  }
0x22: {  	[simem:s7], [sflag:s8] =	dma.local @!p0 [hbm:s6], $0xF7A  }
0x23: {  	s9 =	sor.u32 $0xD0000000, s2;
	s6 =	simm.s32 $0x108;
	_ =	swait.ge @!p0 [sflag:s8], $0x0  }
0x24: {  	s3 =	sadd.s32 $0x88, s3;
	s6 =	simm.s32 @!p1 $0x1082;
	[sflag:s4] =	ssyncset.s32 $0xFFFFF086  }
0x25: {  	[simem:s6], [sflag:s4] =	dma.local [hbm:s3], $0xF7A  }
0x26: {  	[smem:$0x3F9F] =	sst s1;
	(tag) =	ssettag s2;
	_ =	strace s9  }
0x27: {  	s1 =	sld [smem:$0x3FAF]  }
0x28: {  	s2 =	sld [smem:$0x3FB0]  }
0x29: {  	s4 =	sld [smem:$0x3FB2]  }
0x2a: {  	p0 =	seq.s32 s5, $0x0;
	s5 =	sld [smem:$0x3FB3]  }
0x2b: {  	s6 =	sld [smem:$0x3FB4]  }
0x2c: {  	s7 =	sld [smem:$0x3FB5]  }
0x2d: {  	s3 =	simm.s32 $0x108;
	s8 =	sld [smem:$0x3FB6]  }
0x2e: {  	s3 =	simm.s32 @!p0 $0x1082;
	s9 =	sld [smem:$0x3FB7]  }
0x2f: {  	lr =	sadd.s32 s0, s3;
	s0 =	sld [smem:$0x3FAE]  }
0x30: {  	s3 =	sld [smem:$0x3FB1]  }
0x31: {  	[smem:$0x3FBA] =	sst s10  }
0x32: {  	s10 =	sld [smem:$0x3FB8];
	_ =	sdelay $0x3  }
0x33: {  	p0 =	seq.s32 s10, $0x1;
	s10 =	sld [smem:$0x3FBA];
	_ =	sdelay $0x3  }
0x34: {  	[smem:$0x3FBA] =	sst s10  }
0x35: {  	s10 =	sld [smem:$0x3FB9];
	_ =	sdelay $0x3  }
0x36: {  	p1 =	seq.s32 s10, $0x1;
	s10 =	sld [smem:$0x3FBA];
	_ =	sdelay $0x3  }
0x37: {  	[smem:$0x3FBA] =	sst s10  }
0x38: {  	s10 =	sld [smem:$0x3FBB]  }
0x39: {  	_ = 	snop;
	(pc) =	sbr.ind lr, $3  }
0x3a: {  	_ = 	snop  }
0x3b: {  	_ = 	snop  }
0x3c: {  	p2 =	seq.s32 s10, $0x1;
	s10 =	sld [smem:$0x3FBA]  }
0x3d: {  	_ =	shalt  }
0x3e: {  	_ =	shalt  }
0x3f: {  	_ =	shalt  }
0x40: {  	_ =	shalt  }
0x41: {  	_ =	shalt  }
0x42: {  	_ =	shalt  }
0x43: {  	_ =	shalt  }
0x44: {  	_ =	shalt  }
0x45: {  	_ =	shalt  }
0x46: {  	_ =	shalt  }
0x47: {  	_ =	shalt  }
0x48: {  	_ =	shalt  }
0x49: {  	_ =	shalt  }
0x4a: {  	_ =	shalt  }
0x4b: {  	_ =	shalt  }
0x4c: {  	_ =	shalt  }
0x4d: {  	_ =	shalt  }
0x4e: {  	_ =	shalt  }
0x4f: {  	_ =	shalt  }
0x50: {  	_ =	shalt  }
0x51: {  	_ =	shalt  }
0x52: {  	_ =	shalt  }
0x53: {  	_ =	shalt  }
0x54: {  	_ =	shalt  }
0x55: {  	_ =	shalt  }
0x56: {  	_ =	shalt  }
0x57: {  	_ =	shalt  }
0x58: {  	_ =	shalt  }
0x59: {  	_ =	shalt  }
0x5a: {  	_ =	shalt  }
0x5b: {  	_ =	shalt  }
0x5c: {  	_ =	shalt  }
0x5d: {  	_ =	shalt  }
0x5e: {  	_ =	shalt  }
0x5f: {  	_ =	shalt  }
0x60: {  	_ =	shalt  }
0x61: {  	_ =	shalt  }
0x62: {  	_ =	shalt  }
0x63: {  	_ =	shalt  }
0x64: {  	_ =	shalt  }
0x65: {  	_ =	shalt  }
0x66: {  	_ =	shalt  }
0x67: {  	_ =	shalt  }
0x68: {  	_ =	shalt  }
0x69: {  	_ =	shalt  }
0x6a: {  	_ =	shalt  }
0x6b: {  	_ =	shalt  }
0x6c: {  	_ =	shalt  }
0x6d: {  	_ =	shalt  }
0x6e: {  	_ =	shalt  }
0x6f: {  	_ =	shalt  }
0x70: {  	_ =	shalt  }
0x71: {  	_ =	shalt  }
0x72: {  	_ =	shalt  }
0x73: {  	_ =	shalt  }
0x74: {  	_ =	shalt  }
0x75: {  	_ =	shalt  }
0x76: {  	_ =	shalt  }
0x77: {  	_ =	shalt  }
0x78: {  	_ =	shalt  }
0x79: {  	_ =	shalt  }
0x7a: {  	_ =	shalt  }
0x7b: {  	_ =	shalt  }
0x7c: {  	_ =	shalt  }
0x7d: {  	_ =	shalt  }
0x7e: {  	_ =	shalt  }
0x7f: {  	_ =	shalt  }
0x80: {  	_ =	shalt  }
0x81: {  	_ =	shalt  }
0x82: {  	_ =	shalt  }
0x83: {  	_ =	shalt  }
0x84: {  	_ =	shalt  }
0x85: {  	_ =	shalt  }
0x86: {  	_ =	shalt  }
0x87: {  	_ =	shalt  }
.Lfunc_end0:
.L_simem_size_0:
called_computation_lowered:
.L_overlay_start_0:
0x88: {  	s2 =	sld [smem:$0x3FD9]  }
0x89: {  	s3 =	sld [smem:$0x3FFE];
	_ =	sdelay $0x1  }
0x8a: {  	s1 =	srdreg.scid  }
0x8b: {  	s0 =	sand.u32 $0x1, s1  }
0x8c: {  	s17 =	sshll.u32 s0, $0xA;
	s2 =	sadd.s32 s3, s2  }
0x8d: {  	s2 =	sadd.s32 s2, s17  }
0x8e: {  	[smem:$0x3FC6] =	sst s2  }
0x8f: {  	_ = 	snop  }
0x90: {  	s2 =	sld [smem:$0x3FC8];
	(tm) =	ssettm $0x1  }
0x91: {  	s18 =	sld [smem:$0x3FFB];
	_ =	sdelay $0x3  }
0x92: {  	_ =	strace s18  }
0x93: {  	s3 =	sld [smem:$0x3FFC];
	_ =	sdelay $0x3  }
0x94: {  	_ =	strace s3  }
0x95: {  	s3 =	sld [smem:$0x3FFD];
	_ =	sdelay $0x3  }
0x96: {  	_ =	strace s3  }
0x97: {  	_ =	strace $0x8FFFFFFF  }
0x98: {  	s19 =	sld [smem:$0x3FDB];
	_ =	sdelay $0x1  }
0x99: {  	s4 =	simm.s32 $_scs_section_size  }
0x9a: {  	s5 =	simm.s32 $_size__tile_overlayer_lowered;
	s6 =	simm.s32 $_tile_overlayer_lowered  }
0x9b: {  	s22 =	simm.s32 $0x1BFF;
	s21 =	sshll.u32 s6, $0x1;
	s3 =	sadd.s32 s4, s19  }
0x9c: {  	s7 =	simm.s32 $0x0;
	s20 =	sshll.u32 s5, $0x1;
	s5 =	sadd.s32 s21, s3  }
0x9d: {  	[timem:s7], [sflag:s22] =	dma.local [hbm:s5], s20  }
0x9e: {  	_ =	swait.ge [sflag:s22], s20  }
0x9f: {  	s4 =	ssub.s32 $0x0, s20;
	[sflag:s22] =	ssyncset.done $0x0  }
0xa0: {  	[sflag:s22] =	ssyncadd.s32 s4;
	_ =	sdelay $0x1  }
0xa1: {  	s23 =	simm.s32 $0x1B8B  }
0xa2: {  	_ =	swait.ge [sflag:s23], $0x1  }
0xa3: {  	[sflag:s23] =	ssyncset.done $0x0  }
0xa4: {  	s25 =	simm.s32 $0x1B8E;
	s24 =	sld [smem:$0x3FFE];
	[sflag:s23] =	ssyncadd.s32 $0xFFFFFFFF  }
0xa5: {  	s26 =	simm.s32 $execute0_lowered;
	[smem:$0x3FD2] =	sst s25  }
0xa6: {  	s5 =	sshll.u32 s26, $0x1;
	_ =	strace $0x80000046;
	[dreg:$0x1] =	wrdreg $0xFFFFFFFF  }
0xa7: {  	s28 =	simm.s32 $_size_execute0_lowered;
	s3 =	sadd.s32 s3, s5;
	[dreg:$0x0] =	wrdreg $0x0  }
0xa8: {  	s5 =	sshll.u32 s28, $0x1;
	[dreg:$0x2] =	wrdreg s3  }
0xa9: {  	[dreg:$0x3] =	wrdreg s5  }
0xaa: {  	[dreg:$0x4] =	wrdreg $0xC0  }
0xab: {  	_ =	task [dreg:s7], $0x5FFFF  }
0xac: {  	[dreg:$0x1] =	wrdreg $0xFFFFFFFF  }
0xad: {  	[dreg:$0x0] =	wrdreg $0x60  }
0xae: {  	[dreg:$0x2] =	wrdreg s2  }
0xaf: {  	[dreg:$0x3] =	wrdreg s24  }
0xb0: {  	[dreg:$0x4] =	wrdreg $0x9  }
0xb1: {  	_ =	task.clear_ibuf [dreg:s7], $0x5FFFF;
	_ =	strace $0x90000046  }
0xb2: {  	s29 =	simm.s32 $0x9;
	_ =	strace $0x80000048  }
0xb3: {  	_ =	swait.ge [sflag:s29], $0x1  }
0xb4: {  	[sflag:s29] =	ssyncadd.s32 $0xFFFFFFFF  }
0xb5: {  	_ =	strace $0x90000048  }
0xb6: {  	_ =	sfence  }
0xb7: {  	s30 =	sld [smem:$0x0];
	_ =	sdelay $0x2  }
0xb8: {  	s31 =	sshll.u32 s1, $0xD;
	s1 =	sshrl.u32 s1, $0x2  }
0xb9: {  	s3 =	sand.u32 $0x4000, s31;
	s1 =	sadd.s32 s1, s30  }
0xba: {  	s0 =	sor.u32 s3, s0;
	s1 =	sshll.u32 s1, $0x11  }
0xbb: {  	s0 =	sor.u32 s1, s0  }
0xbc: {  	s0 =	sadd.s32 $0x8F2B, s0  }
0xbd: {  	[sflag:s0] =	ssyncadd.remote.s32 $0x1  }
0xbe: {  	_ =	sfence.sel $0xFFFF  }
0xbf: {  	[dreg:$0x0] =	wrdreg $0xFFFFFFFF;
	(pc) =	sbr.abs _section_cstart, $3  }
0xc0: {  	[dreg:$0x1] =	wrdreg $0xFFFFFFFF  }
0xc1: {  	_ =	task.clear_ibuf [dreg:s7], $0x2FFFF;
	_ =	strace $0x9FFFFFFF  }
0xc2: {  	(tm) =	ssettm $0x7FFFFFFF  }
0xc3: {  	_ =	shalt  }
tec
execute0_lowered:
.L_overlay_start_1:
0x0: {  	(tag) =	ssettag $0x1  }
0x1: {  	s1 =	rddreg [dreg:$0x0]  }
0x2: {  	s4 =	rddreg [dreg:$0x1]  }
0x3: {  	s0 =	rddreg [dreg:$0x2]  }
0x4: {  	s3 =	simm.s32 $0x0;
	s5 =	srdreg.scid;
	s2 =	stileid.u32  }
0x5: {  	s12 =	simm.s32 $0x1;
	s13 =	simm.s32 $0x8080;
	s14 =	simm.s32 $0x2  }
0x6: {  	s15 =	simm.s32 $0xC080;
	s16 =	simm.s32 $0x3;
	s17 =	simm.s32 $0x4  }
0x7: {  	s18 =	simm.s32 $0x0;
	[smem:$0x7FF] =	sst s3;
	s5 =	sand.u32 $0x1, s5  }
0x8: {  	s7 =	sshll.u32 s2, $0xD;
	s8 =	sadd.s32 $0x400, s4;
	s6 =	ssub.s32 $0x2, s5  }
0x9: {  	s10 =	sadd.s32 $0x20400, s4;
	s5 =	sshll.u32 s5, $0xC;
	s9 =	sshrl.u32 s6, $0x1  }
0xa: {  	_ =	strace $0x80000047;
	s7 =	sor.u32 s5, s7;
	s9 =	ssub.s32 s6, s9  }
0xb: {  	s11 =	sor.u32 $0x800, s7;
	s4 =	sadd.s32 s8, s7;
	s6 =	sadd.s32 s10, s7  }
0xc: {  	s5 =	sadd.s32 s8, s11;
	s7 =	sadd.s32 s10, s11;
	s8 =	smax.u32 s9, $0x1  }
0xd: {  	s9 =	simm.s32 $0x80;
	s10 =	simm.s32 $0x4080;
	s11 =	simm.s32 $0x5  }
.LBB2_1:
0xe: {  	[tilespmem:s9], [sflag:$0x1] =	stream.linear.gather [hbm4b:s4+s3], $0x4000, $0x38;
	[tilespmem:$0x10080] =	vst v63  }
0xf: {  	_ = 	snop  }
0x10: {  	[tilespmem:s10], [sflag:$0x2] =	stream.linear.gather [hbm4b:s5+s3], $0x4000, $0x38;
	[tilespmem:$0x10080] =	vst v63  }
0x11: {  	_ = 	snop  }
0x12: {  	[tilespmem:s3], [sflag:$0x5] =	stream.linear.gather [hbm4b:s1+s3], $0x78, $0x38;
	[tilespmem:$0x10080] =	vst v63  }
0x13: {  	_ =	swait.ge [sflag:s11], $0x78  }
0x14: {  	[sflag:s11] =	ssyncset.done $0x0  }
0x15: {  	[sflag:s11] =	ssyncadd.s32 $0xFFFFFF88  }
0x16: {  	_ =	swait.ge [sflag:s12], $0x4000  }
0x17: {  	s19 =	sand.u32 $0x3800, s3;
	s20 =	sand.u32 $0x300, s3;
	[sflag:s12] =	ssyncset.done $0x0  }
0x18: {  	s19 =	sor.u32 s20, s19;
	[sflag:s12] =	ssyncadd.s32 $0xFFFFC000  }
0x19: {  	v1 =	vld [tilespmem:s19+$0x80];
	_ =	sdelay $0x1  }
0x1a: {  	v0 =	vld [tilespmem:s19+$0x100];
	_ =	sdelay $0x2  }
0x1b: {  	v2 =	vld [tilespmem:s19+$0x110]  }
0x1c: {  	v3 =	vld [tilespmem:s19+$0x90]  }
0x1d: {  	v4 =	vld [tilespmem:s19+$0xA0]  }
0x1e: {  	v1 =	vld.idx.msk [tilespmem:v1+s3+$0x0], $0xffff  }
0x1f: {  	v5 =	vld [tilespmem:s19+$0xB0]  }
0x20: {  	v0 =	vld.idx.msk [tilespmem:v0+s3+$0x0], $0xffff  }
0x21: {  	v6 =	vld [tilespmem:s19+$0xC0]  }
0x22: {  	v7 =	vld [tilespmem:s19+$0xD0]  }
0x23: {  	v8 =	vld [tilespmem:s19+$0xE0];
	[tilespmem:s19+$0x8080] =	vst v1  }
0x24: {  	v1 =	vld.idx.msk [tilespmem:v3+s3+$0x0], $0xffff  }
0x25: {  	s29 =	simm.s32 $0x100;
	s21 =	simm.s32 $0x200;
	[tilespmem:s19+$0x8100] =	vst v0;
	v0 =	vld [tilespmem:s19+$0x120]  }
0x26: {  	s21 =	sand.u32 $0x3800, s21;
	s20 =	sand.u32 $0x300, s29;
	v9 =	vld [tilespmem:s19+$0xF0]  }
0x27: {  	s20 =	sor.u32 s20, s21;
	v2 =	vld.idx.msk [tilespmem:v2+s3+$0x0], $0xffff  }
0x28: {  	v11 =	vld [tilespmem:s20+$0x90]  }
0x29: {  	v12 =	vld [tilespmem:s20+$0xA0];
	[tilespmem:s19+$0x8090] =	vst v1  }
0x2a: {  	v1 =	vld.idx.msk [tilespmem:v4+s3+$0x0], $0xffff  }
0x2b: {  	v13 =	vld [tilespmem:s20+$0xB0]  }
0x2c: {  	[tilespmem:s19+$0x8110] =	vst v2;
	v2 =	vld [tilespmem:s19+$0x130]  }
0x2d: {  	v0 =	vld.idx.msk [tilespmem:v0+s3+$0x0], $0xffff  }
0x2e: {  	v14 =	vld [tilespmem:s20+$0x110]  }
0x2f: {  	v15 =	vld [tilespmem:s20+$0xC0];
	[tilespmem:s19+$0x80A0] =	vst v1  }
0x30: {  	v1 =	vld.idx.msk [tilespmem:v5+s3+$0x0], $0xffff  }
0x31: {  	v16 =	vld [tilespmem:s20+$0xD0]  }
0x32: {  	s30 =	simm.s32 $0x200;
	s22 =	simm.s32 $0x400;
	[tilespmem:s19+$0x8120] =	vst v0;
	v0 =	vld [tilespmem:s19+$0x140]  }
0x33: {  	s22 =	sand.u32 $0x3800, s22;
	s21 =	sand.u32 $0x300, s30;
	v17 =	vld [tilespmem:s20+$0xF0]  }
0x34: {  	s21 =	sor.u32 s21, s22;
	v2 =	vld.idx.msk [tilespmem:v2+s3+$0x0], $0xffff  }
0x35: {  	v18 =	vld [tilespmem:s21+$0xB0];
	[tilespmem:s19+$0x80B0] =	vst v1  }
0x36: {  	v6 =	vld.idx.msk [tilespmem:v6+s3+$0x0], $0xffff  }
0x37: {  	v19 =	vld [tilespmem:s21+$0x110]  }
0x38: {  	v3 =	vld [tilespmem:s19+$0x150]  }
0x39: {  	v20 =	vld [tilespmem:s21+$0xC0];
	[tilespmem:s19+$0x8130] =	vst v2  }
0x3a: {  	v0 =	vld.idx.msk [tilespmem:v0+s3+$0x0], $0xffff  }
0x3b: {  	s31 =	simm.s32 $0x300;
	s23 =	simm.s32 $0x600;
	v21 =	vld [tilespmem:s21+$0xD0];
	[tilespmem:s19+$0x80C0] =	vst v6  }
0x3c: {  	s23 =	sand.u32 $0x3800, s23;
	s22 =	sand.u32 $0x300, s31;
	v6 =	vld.idx.msk [tilespmem:v7+s3+$0x0], $0xffff  }
0x3d: {  	s22 =	sor.u32 s22, s23;
	v22 =	vld [tilespmem:s21+$0xF0]  }
0x3e: {  	v61 =	vld [tilespmem:s22+$0xC0]  }
0x3f: {  	v23 =	vld [tilespmem:s22+$0xD0];
	[tilespmem:s19+$0x8140] =	vst v0  }
0x40: {  	v10 =	vld.idx.msk [tilespmem:v3+s3+$0x0], $0xffff  }
0x41: {  	v0 =	vld [tilespmem:s19+$0x160];
	[tilespmem:s19+$0x80D0] =	vst v6  }
0x42: {  	v6 =	vld.idx.msk [tilespmem:v8+s3+$0x0], $0xffff  }
0x43: {  	v8 =	vld [tilespmem:s20+$0x100]  }
0x44: {  	v24 =	vld [tilespmem:s21+$0x520]  }
0x45: {  	[tilespmem:s19+$0x8150] =	vst v10;
	v10 =	vld [tilespmem:s20+$0x80]  }
0x46: {  	v63 =	vld [tilespmem:s22+$0x140]  }
0x47: {  	v4 =	vld [tilespmem:s19+$0x480]  }
0x48: {  	v5 =	vld [tilespmem:s19+$0x490]  }
0x49: {  	v7 =	vld [tilespmem:s19+$0x170]  }
0x4a: {  	v0 =	vld.idx.msk [tilespmem:v0+s3+$0x0], $0xffff  }
0x4b: {  	v8 =	vld.idx.msk [tilespmem:v8+s3+$0x0], $0xffff  }
0x4c: {  	v1 =	vld [tilespmem:s19+$0x4A0]  }
0x4d: {  	v10 =	vld.idx.msk [tilespmem:v10+s3+$0x0], $0xffff  }
0x4e: {  	v2 =	vld [tilespmem:s19+$0x4B0]  }
0x4f: {  	[tilespmem:s19+$0x8160] =	vst v0;
	v0 =	vld [tilespmem:s19+$0x500]  }
0x50: {  	[tilespmem:s20+$0x8100] =	vst v8;
	v8 =	vld [tilespmem:s20+$0x120]  }
0x51: {  	v7 =	vld.idx.msk [tilespmem:v7+s3+$0x0], $0xffff  }
0x52: {  	[tilespmem:s20+$0x8080] =	vst v10;
	v10 =	vld.idx.msk [tilespmem:v14+s3+$0x0], $0xffff  }
0x53: {  	v3 =	vld [tilespmem:s19+$0x4B8];
	[tilespmem:s19+$0x80E0] =	vst v6  }
0x54: {  	v9 =	vld.idx.msk [tilespmem:v9+s3+$0x0], $0xffff  }
0x55: {  	v11 =	vld.idx.msk [tilespmem:v11+s3+$0x0], $0xffff  }
0x56: {  	[tilespmem:s19+$0x8170] =	vst v7;
	v7 =	vld [tilespmem:s19+$0x510]  }
0x57: {  	[tilespmem:s20+$0x8110] =	vst v10;
	v10 =	vld [tilespmem:s20+$0x130]  }
0x58: {  	v8 =	vld.idx.msk [tilespmem:v8+s3+$0x0], $0xffff  }
0x59: {  	[tilespmem:s19+$0x80F0] =	vst v9;
	v0 =	vld.idx.msk [tilespmem:v0+s3+$0x0], $0xffff  }
0x5a: {  	v9 =	vld [tilespmem:s20+$0x4B0];
	[tilespmem:s20+$0x8090] =	vst v11  }
0x5b: {  	v6 =	vld.idx.msk [tilespmem:v12+s3+$0x0], $0xffff  }
0x5c: {  	v4 =	vld.idx.msk [tilespmem:v4+s3+$0x0], $0xffff  }
0x5d: {  	[tilespmem:s20+$0x8120] =	vst v8;
	v8 =	vld [tilespmem:s20+$0x140]  }
0x5e: {  	[tilespmem:s19+$0x8500] =	vst v0;
	v0 =	vld [tilespmem:s19+$0x520]  }
0x5f: {  	v10 =	vld.idx.msk [tilespmem:v10+s3+$0x0], $0xffff  }
0x60: {  	v7 =	vld.idx.msk [tilespmem:v7+s3+$0x0], $0xffff;
	[tilespmem:s20+$0x80A0] =	vst v6  }
0x61: {  	v6 =	vld.idx.msk [tilespmem:v13+s3+$0x0], $0xffff  }
0x62: {  	v14 =	vld [tilespmem:s20+$0xE0];
	[tilespmem:s19+$0x8480] =	vst v4  }
0x63: {  	v5 =	vld.idx.msk [tilespmem:v5+s3+$0x0], $0xffff  }
0x64: {  	[tilespmem:s20+$0x8130] =	vst v10;
	v10 =	vld [tilespmem:s20+$0x150]  }
0x65: {  	[tilespmem:s19+$0x8510] =	vst v7;
	v8 =	vld.idx.msk [tilespmem:v8+s3+$0x0], $0xffff  }
0x66: {  	v7 =	vld [tilespmem:s19+$0x530];
	[tilespmem:s20+$0x80B0] =	vst v6  }
0x67: {  	v6 =	vld.idx.msk [tilespmem:v15+s3+$0x0], $0xffff  }
0x68: {  	v12 =	vld [tilespmem:s20+$0x480]  }
0x69: {  	v0 =	vld.idx.msk [tilespmem:v0+s3+$0x0], $0xffff  }
0x6a: {  	[tilespmem:s20+$0x8140] =	vst v8;
	v8 =	vld [tilespmem:s20+$0x160]  }
0x6b: {  	v13 =	vld [tilespmem:s20+$0x490]  }
0x6c: {  	[tilespmem:s20+$0x80C0] =	vst v6;
	v10 =	vld.idx.msk [tilespmem:v10+s3+$0x0], $0xffff  }
0x6d: {  	v4 =	vld.idx.msk [tilespmem:v16+s3+$0x0], $0xffff  }
0x6e: {  	v15 =	vld [tilespmem:s20+$0x4A0];
	[tilespmem:s19+$0x8520] =	vst v0  }
0x6f: {  	v7 =	vld.idx.msk [tilespmem:v7+s3+$0x0], $0xffff  }
0x70: {  	v6 =	vld [tilespmem:s20+$0x170]  }
0x71: {  	[tilespmem:s20+$0x8150] =	vst v10;
	v10 =	vld [tilespmem:s21+$0x80]  }
0x72: {  	[tilespmem:s20+$0x80D0] =	vst v4;
	v4 =	vld.idx.msk [tilespmem:v8+s3+$0x0], $0xffff  }
0x73: {  	v0 =	vld [tilespmem:s19+$0x538]  }
0x74: {  	[tilespmem:s19+$0x8530] =	vst v7;
	v7 =	vld.idx.msk [tilespmem:v14+s3+$0x0], $0xffff  }
0x75: {  	v8 =	vld [tilespmem:s21+$0x100]  }
0x76: {  	v14 =	vld [tilespmem:s21+$0x90]  }
0x77: {  	[tilespmem:s20+$0x8160] =	vst v4;
	v4 =	vld [tilespmem:s20+$0x500]  }
0x78: {  	v6 =	vld.idx.msk [tilespmem:v6+s3+$0x0], $0xffff  }
0x79: {  	v10 =	vld.idx.msk [tilespmem:v10+s3+$0x0], $0xffff  }
0x7a: {  	v16 =	vld [tilespmem:s21+$0xA0]  }
0x7b: {  	v11 =	vld.idx.msk [tilespmem:v0+s3+$0x0], $0xffff  }
0x7c: {  	v0 =	vld [tilespmem:s20+$0x4B8]  }
0x7d: {  	v8 =	vld.idx.msk [tilespmem:v8+s3+$0x0], $0xffff;
	[tilespmem:s20+$0x8170] =	vst v6  }
0x7e: {  	v6 =	vld [tilespmem:s20+$0x510];
	[tilespmem:s21+$0x8080] =	vst v10  }
0x7f: {  	v14 =	vld.idx.msk [tilespmem:v14+s3+$0x0], $0xffff  }
0x80: {  	v4 =	vld.idx.msk [tilespmem:v4+s3+$0x0], $0xffff  }
0x81: {  	[tilespmem:s19+$0x8538] =	vst v11;
	v11 =	vld [tilespmem:s22+$0x4B8]  }
0x82: {  	[tilespmem:s21+$0x8100] =	vst v8;
	v8 =	vld [tilespmem:s21+$0x120]  }
0x83: {  	[tilespmem:s20+$0x80E0] =	vst v7;
	v10 =	vld.idx.msk [tilespmem:v19+s3+$0x0], $0xffff  }
0x84: {  	[tilespmem:s21+$0x8090] =	vst v14;
	v14 =	vld.idx.msk [tilespmem:v17+s3+$0x0], $0xffff  }
0x85: {  	[tilespmem:s20+$0x8500] =	vst v4;
	v4 =	vld [tilespmem:s20+$0x520]  }
0x86: {  	v7 =	vld.idx.msk [tilespmem:v16+s3+$0x0], $0xffff  }
0x87: {  	v6 =	vld.idx.msk [tilespmem:v6+s3+$0x0], $0xffff  }
0x88: {  	[tilespmem:s21+$0x8110] =	vst v10;
	v10 =	vld [tilespmem:s21+$0x130]  }
0x89: {  	v19 =	vld [tilespmem:s21+$0xE0]  }
0x8a: {  	v8 =	vld.idx.msk [tilespmem:v8+s3+$0x0], $0xffff  }
0x8b: {  	v16 =	vld [tilespmem:s21+$0x480];
	[tilespmem:s20+$0x80F0] =	vst v14  }
0x8c: {  	[tilespmem:s21+$0x80A0] =	vst v7;
	v7 =	vld.idx.msk [tilespmem:v12+s3+$0x0], $0xffff  }
0x8d: {  	[tilespmem:s20+$0x8510] =	vst v6;
	v6 =	vld [tilespmem:s20+$0x530]  }
0x8e: {  	v4 =	vld.idx.msk [tilespmem:v4+s3+$0x0], $0xffff  }
0x8f: {  	[tilespmem:s21+$0x8120] =	vst v8;
	v8 =	vld [tilespmem:s21+$0x140]  }
0x90: {  	[tilespmem:s19+$0x8490] =	vst v5;
	v5 =	vld.idx.msk [tilespmem:v10+s3+$0x0], $0xffff  }
0x91: {  	v10 =	vld.idx.msk [tilespmem:v1+s3+$0x0], $0xffff  }
0x92: {  	v1 =	vld.idx.msk [tilespmem:v18+s3+$0x0], $0xffff;
	[tilespmem:s20+$0x8480] =	vst v7  }
0x93: {  	v7 =	vld.idx.msk [tilespmem:v13+s3+$0x0], $0xffff  }
0x94: {  	[tilespmem:s20+$0x8520] =	vst v4;
	v4 =	vld [tilespmem:s20+$0x538]  }
0x95: {  	[tilespmem:s21+$0x8130] =	vst v5;
	v5 =	vld [tilespmem:s21+$0x150]  }
0x96: {  	v6 =	vld.idx.msk [tilespmem:v6+s3+$0x0], $0xffff  }
0x97: {  	v8 =	vld.idx.msk [tilespmem:v8+s3+$0x0], $0xffff  }
0x98: {  	v12 =	vld [tilespmem:s21+$0x490];
	[tilespmem:s21+$0x80B0] =	vst v1  }
0x99: {  	v14 =	vld.idx.msk [tilespmem:v20+s3+$0x0], $0xffff  }
0x9a: {  	v13 =	vld [tilespmem:s21+$0x4A0];
	[tilespmem:s20+$0x8490] =	vst v7  }
0x9b: {  	v7 =	vld [tilespmem:s22+$0x100];
	[tilespmem:s20+$0x8530] =	vst v6  }
0x9c: {  	[tilespmem:s21+$0x8140] =	vst v8;
	v8 =	vld [tilespmem:s21+$0x160]  }
0x9d: {  	v17 =	vld.idx.msk [tilespmem:v4+s3+$0x0], $0xffff  }
0x9e: {  	[tilespmem:s21+$0x80C0] =	vst v14;
	v5 =	vld.idx.msk [tilespmem:v5+s3+$0x0], $0xffff  }
0x9f: {  	v4 =	vld.idx.msk [tilespmem:v21+s3+$0x0], $0xffff  }
0xa0: {  	v1 =	vld [tilespmem:s21+$0x4B0]  }
0xa1: {  	[tilespmem:s19+$0x84A0] =	vst v10;
	v10 =	vld [tilespmem:s22+$0x90]  }
0xa2: {  	v60 =	vld.idx.msk [tilespmem:v2+s3+$0x0], $0xffff  }
0xa3: {  	[tilespmem:s21+$0x8150] =	vst v5;
	v5 =	vld [tilespmem:s21+$0x170]  }
0xa4: {  	[tilespmem:s21+$0x80D0] =	vst v4;
	v4 =	vld.idx.msk [tilespmem:v8+s3+$0x0], $0xffff  }
0xa5: {  	v8 =	vld [tilespmem:s22+$0x80]  }
0xa6: {  	v2 =	vld [tilespmem:s21+$0x4B8]  }
0xa7: {  	v7 =	vld.idx.msk [tilespmem:v7+s3+$0x0], $0xffff  }
0xa8: {  	v6 =	vld.idx.msk [tilespmem:v19+s3+$0x0], $0xffff  }
0xa9: {  	[tilespmem:s21+$0x8160] =	vst v4;
	v4 =	vld [tilespmem:s21+$0x500]  }
0xaa: {  	v19 =	vld [tilespmem:s22+$0x110]  }
0xab: {  	v5 =	vld.idx.msk [tilespmem:v5+s3+$0x0], $0xffff  }
0xac: {  	v18 =	vld.idx.msk [tilespmem:v15+s3+$0x0], $0xffff  }
0xad: {  	v8 =	vld.idx.msk [tilespmem:v8+s3+$0x0], $0xffff  }
0xae: {  	v15 =	vld [tilespmem:s22+$0xB0]  }
0xaf: {  	[tilespmem:s22+$0x8100] =	vst v7;
	v7 =	vld [tilespmem:s22+$0x120]  }
0xb0: {  	[tilespmem:s21+$0x8170] =	vst v5;
	v5 =	vld [tilespmem:s21+$0x510]  }
0xb1: {  	v4 =	vld.idx.msk [tilespmem:v4+s3+$0x0], $0xffff  }
0xb2: {  	[tilespmem:s22+$0x8080] =	vst v8;
	v8 =	vld.idx.msk [tilespmem:v19+s3+$0x0], $0xffff  }
0xb3: {  	v14 =	vld [tilespmem:s22+$0xA0]  }
0xb4: {  	v19 =	vld.idx.msk [tilespmem:v10+s3+$0x0], $0xffff  }
0xb5: {  	v10 =	vld [tilespmem:s22+$0xE0]  }
0xb6: {  	[tilespmem:s21+$0x8500] =	vst v4;
	v4 =	vld [tilespmem:s22+$0xF0]  }
0xb7: {  	[tilespmem:s22+$0x8110] =	vst v8;
	v8 =	vld [tilespmem:s22+$0x130]  }
0xb8: {  	v5 =	vld.idx.msk [tilespmem:v5+s3+$0x0], $0xffff  }
0xb9: {  	v7 =	vld.idx.msk [tilespmem:v7+s3+$0x0], $0xffff  }
0xba: {  	[tilespmem:s22+$0x8090] =	vst v19;
	v19 =	vld [tilespmem:s21+$0x530]  }
0xbb: {  	[tilespmem:s21+$0x80E0] =	vst v6;
	v6 =	vld.idx.msk [tilespmem:v14+s3+$0x0], $0xffff  }
0xbc: {  	v14 =	vld.idx.msk [tilespmem:v22+s3+$0x0], $0xffff  }
0xbd: {  	[tilespmem:s21+$0x8510] =	vst v5;
	v5 =	vld [tilespmem:s22+$0x480]  }
0xbe: {  	v62 =	vld.idx.msk [tilespmem:v24+s3+$0x0], $0xffff  }
0xbf: {  	[tilespmem:s22+$0x8120] =	vst v7;
	v7 =	vld [tilespmem:s22+$0x490]  }
0xc0: {  	[tilespmem:s22+$0x80A0] =	vst v6;
	v6 =	vld.idx.msk [tilespmem:v8+s3+$0x0], $0xffff  }
0xc1: {  	[tilespmem:s21+$0x80F0] =	vst v14;
	v8 =	vld.idx.msk [tilespmem:v15+s3+$0x0], $0xffff  }
0xc2: {  	v14 =	vld.idx.msk [tilespmem:v16+s3+$0x0], $0xffff  }
0xc3: {  	v15 =	vld [tilespmem:s21+$0x538];
	[tilespmem:s21+$0x8520] =	vst v62  }
0xc4: {  	v16 =	vld.idx.msk [tilespmem:v19+s3+$0x0], $0xffff  }
0xc5: {  	[tilespmem:s22+$0x8130] =	vst v6;
	v19 =	vld [tilespmem:s22+$0x150]  }
0xc6: {  	[tilespmem:s22+$0x80B0] =	vst v8;
	v8 =	vld [tilespmem:s22+$0x4A0]  }
0xc7: {  	v6 =	vld.idx.msk [tilespmem:v63+s3+$0x0], $0xffff  }
0xc8: {  	[tilespmem:s21+$0x8480] =	vst v14;
	v21 =	vld.idx.msk [tilespmem:v61+s3+$0x0], $0xffff  }
0xc9: {  	v12 =	vld.idx.msk [tilespmem:v12+s3+$0x0], $0xffff  }
0xca: {  	v14 =	vld [tilespmem:s22+$0x160];
	[tilespmem:s21+$0x8530] =	vst v16  }
0xcb: {  	[tilespmem:s19+$0x84B0] =	vst v60;
	v16 =	vld.idx.msk [tilespmem:v15+s3+$0x0], $0xffff  }
0xcc: {  	[tilespmem:s22+$0x8140] =	vst v6;
	v6 =	vld [tilespmem:s22+$0x4B0]  }
0xcd: {  	[tilespmem:s22+$0x80C0] =	vst v21;
	v19 =	vld.idx.msk [tilespmem:v19+s3+$0x0], $0xffff  }
0xce: {  	[tilespmem:s21+$0x8490] =	vst v12;
	v15 =	vld.idx.msk [tilespmem:v23+s3+$0x0], $0xffff  }
0xcf: {  	[tilespmem:s20+$0x84A0] =	vst v18;
	v13 =	vld.idx.msk [tilespmem:v13+s3+$0x0], $0xffff  }
0xd0: {  	[tilespmem:s20+$0x8538] =	vst v17;
	v12 =	vld.idx.msk [tilespmem:v9+s3+$0x0], $0xffff  }
0xd1: {  	v9 =	vld.idx.msk [tilespmem:v3+s3+$0x0], $0xffff;
	[tilespmem:s21+$0x8538] =	vst v16  }
0xd2: {  	s24 =	simm.s32 $0x400;
	s25 =	simm.s32 $0x800;
	s23 =	simm.s32 $0x6;
	v16 =	vld [tilespmem:s22+$0x170];
	[tilespmem:s22+$0x8150] =	vst v19  }
.LBB2_2:
0xd3: {  	s26 =	sand.u32 $0x3800, s25;
	s28 =	sand.u32 $0x300, s24;
	s23 =	sadd.s32 $0x2, s23;
	[tilespmem:s22+$0x80D0] =	vst v15;
	v14 =	vld.idx.msk [tilespmem:v14+s3+$0x0], $0xffff  }
0xd4: {  	s26 =	sor.u32 s28, s26;
	p0 =	slt.u32 s23, $0x3E;
	v10 =	vld.idx.msk [tilespmem:v10+s3+$0x0], $0xffff;
	[tilespmem:s21+$0x84A0] =	vst v13  }
0xd5: {  	v13 =	vld [tilespmem:s26+$0x100];
	[tilespmem:s20+$0x84B0] =	vst v12;
	v3 =	vmov v11  }
0xd6: {  	v11 =	vld [tilespmem:s26+$0x80]  }
0xd7: {  	v12 =	vld [tilespmem:s26+$0x90];
	[tilespmem:s19+$0x84B8] =	vst v9;
	s19 =	smov.u32 s20;
	s20 =	smov.u32 s21;
	s21 =	smov.u32 s22  }
0xd8: {  	s22 =	smov.u32 s26;
	v9 =	vld [tilespmem:s26+$0xA0]  }
0xd9: {  	[tilespmem:s21+$0x8160] =	vst v14;
	v14 =	vld [tilespmem:s21+$0x500]  }
0xda: {  	[tilespmem:s21+$0x80E0] =	vst v10;
	v10 =	vld.idx.msk [tilespmem:v16+s3+$0x0], $0xffff  }
0xdb: {  	v15 =	vld [tilespmem:s22+$0xB0]  }
0xdc: {  	v16 =	vld [tilespmem:s22+$0x110]  }
0xdd: {  	v13 =	vld.idx.msk [tilespmem:v13+s3+$0x0], $0xffff  }
0xde: {  	v11 =	vld.idx.msk [tilespmem:v11+s3+$0x0], $0xffff  }
0xdf: {  	v17 =	vld [tilespmem:s22+$0xC0]  }
0xe0: {  	[tilespmem:s21+$0x8170] =	vst v10;
	v18 =	vld [tilespmem:s21+$0x510]  }
0xe1: {  	v14 =	vld.idx.msk [tilespmem:v14+s3+$0x0], $0xffff  }
0xe2: {  	v19 =	vld [tilespmem:s22+$0xD0]  }
0xe3: {  	[tilespmem:s22+$0x8100] =	vst v13;
	v13 =	vld [tilespmem:s22+$0x120]  }
0xe4: {  	[tilespmem:s22+$0x8080] =	vst v11;
	v11 =	vld.idx.msk [tilespmem:v16+s3+$0x0], $0xffff  }
0xe5: {  	v12 =	vld.idx.msk [tilespmem:v12+s3+$0x0], $0xffff  }
0xe6: {  	v10 =	vld [tilespmem:s22+$0xE0]  }
0xe7: {  	[tilespmem:s21+$0x8500] =	vst v14;
	v14 =	vld [tilespmem:s21+$0x520]  }
0xe8: {  	v16 =	vld.idx.msk [tilespmem:v18+s3+$0x0], $0xffff  }
0xe9: {  	v18 =	vld [tilespmem:s22+$0xF0]  }
0xea: {  	[tilespmem:s22+$0x8110] =	vst v11;
	v11 =	vld [tilespmem:s22+$0x130]  }
0xeb: {  	[tilespmem:s22+$0x8090] =	vst v12;
	v12 =	vld.idx.msk [tilespmem:v13+s3+$0x0], $0xffff  }
0xec: {  	v9 =	vld.idx.msk [tilespmem:v9+s3+$0x0], $0xffff  }
0xed: {  	v13 =	vld.idx.msk [tilespmem:v4+s3+$0x0], $0xffff  }
0xee: {  	[tilespmem:s21+$0x8510] =	vst v16;
	v16 =	vld [tilespmem:s21+$0x530];
	v4 =	vmov v18  }
0xef: {  	v14 =	vld.idx.msk [tilespmem:v14+s3+$0x0], $0xffff  }
0xf0: {  	v18 =	vld [tilespmem:s22+$0x480]  }
0xf1: {  	[tilespmem:s22+$0x8120] =	vst v12;
	v12 =	vld [tilespmem:s22+$0x140]  }
0xf2: {  	[tilespmem:s22+$0x80A0] =	vst v9;
	v9 =	vld.idx.msk [tilespmem:v11+s3+$0x0], $0xffff  }
0xf3: {  	v11 =	vld.idx.msk [tilespmem:v15+s3+$0x0], $0xffff;
	[tilespmem:s21+$0x80F0] =	vst v13  }
0xf4: {  	v13 =	vld.idx.msk [tilespmem:v5+s3+$0x0], $0xffff  }
0xf5: {  	[tilespmem:s21+$0x8520] =	vst v14;
	v14 =	vld [tilespmem:s21+$0x538];
	v5 =	vmov v18  }
0xf6: {  	v15 =	vld.idx.msk [tilespmem:v16+s3+$0x0], $0xffff  }
0xf7: {  	v16 =	vld [tilespmem:s22+$0x490]  }
0xf8: {  	[tilespmem:s22+$0x8130] =	vst v9;
	v9 =	vld [tilespmem:s22+$0x150]  }
0xf9: {  	[tilespmem:s22+$0x80B0] =	vst v11;
	v11 =	vld.idx.msk [tilespmem:v12+s3+$0x0], $0xffff  }
0xfa: {  	v12 =	vld.idx.msk [tilespmem:v17+s3+$0x0], $0xffff;
	[tilespmem:s21+$0x8480] =	vst v13  }
0xfb: {  	v13 =	vld.idx.msk [tilespmem:v7+s3+$0x0], $0xffff  }
0xfc: {  	v17 =	vld [tilespmem:s22+$0x4A0];
	[tilespmem:s21+$0x8530] =	vst v15;
	v7 =	vmov v16  }
0xfd: {  	v16 =	vld.idx.msk [tilespmem:v14+s3+$0x0], $0xffff  }
0xfe: {  	v18 =	vld [tilespmem:s22+$0x4B0]  }
0xff: {  	[tilespmem:s22+$0x8140] =	vst v11;
	v14 =	vld [tilespmem:s22+$0x160]  }
0x100: {  	[tilespmem:s22+$0x80C0] =	vst v12;
	v20 =	vld.idx.msk [tilespmem:v9+s3+$0x0], $0xffff  }
0x101: {  	v15 =	vld.idx.msk [tilespmem:v19+s3+$0x0], $0xffff;
	[tilespmem:s21+$0x8490] =	vst v13  }
.Ltmp0:
0x102: {  	v13 =	vld.idx.msk [tilespmem:v8+s3+$0x0], $0xffff;
	v8 =	vmov v17;
	(pc) =	sbr.rel @p0 .LBB2_2-.Ltmp0, $4  }
0x103: {  	[tilespmem:s21+$0x8538] =	vst v16;
	v12 =	vld.idx.msk [tilespmem:v1+s3+$0x0], $0xffff;
	v1 =	vmov v6;
	v6 =	vmov v18  }
0x104: {  	v11 =	vld [tilespmem:s22+$0x4B8]  }
0x105: {  	v9 =	vld.idx.msk [tilespmem:v0+s3+$0x0], $0xffff;
	v0 =	vmov v2;
	v2 =	vmov v3  }
0x106: {  	s24 =	sadd.s32 $0x100, s24;
	s25 =	sadd.s32 $0x200, s25;
	[tilespmem:s22+$0x8150] =	vst v20;
	v16 =	vld [tilespmem:s22+$0x170]  }
0x107: {  	_ =	sdelay $0x3  }
0x108: {  	v3 =	vld.idx.msk [tilespmem:v14+s3+$0x0], $0xffff;
	_ =	sdelay $0x2  }
0x109: {  	[tilespmem:s22+$0x80D0] =	vst v15  }
0x10a: {  	v10 =	vld.idx.msk [tilespmem:v10+s3+$0x0], $0xffff  }
0x10b: {  	[tilespmem:s22+$0x8160] =	vst v3;
	v3 =	vld [tilespmem:s22+$0x500];
	_ =	sdelay $0x1  }
0x10c: {  	v14 =	vld.idx.msk [tilespmem:v16+s3+$0x0], $0xffff;
	_ =	sdelay $0x2  }
0x10d: {  	[tilespmem:s22+$0x80E0] =	vst v10  }
0x10e: {  	v4 =	vld.idx.msk [tilespmem:v4+s3+$0x0], $0xffff  }
0x10f: {  	[tilespmem:s22+$0x8170] =	vst v14;
	v14 =	vld [tilespmem:s22+$0x510]  }
0x110: {  	v3 =	vld.idx.msk [tilespmem:v3+s3+$0x0], $0xffff;
	_ =	sdelay $0x3  }
0x111: {  	[tilespmem:s22+$0x80F0] =	vst v4  }
0x112: {  	[tilespmem:s22+$0x8500] =	vst v3;
	v3 =	vld [tilespmem:s22+$0x520]  }
0x113: {  	v4 =	vld.idx.msk [tilespmem:v5+s3+$0x0], $0xffff  }
0x114: {  	v10 =	vld.idx.msk [tilespmem:v14+s3+$0x0], $0xffff;
	_ =	sdelay $0x3  }
0x115: {  	[tilespmem:s22+$0x8480] =	vst v4  }
0x116: {  	v4 =	vld.idx.msk [tilespmem:v7+s3+$0x0], $0xffff;
	[tilespmem:s22+$0x8510] =	vst v10  }
0x117: {  	v3 =	vld.idx.msk [tilespmem:v3+s3+$0x0], $0xffff;
	_ =	sdelay $0x1  }
0x118: {  	v5 =	vld [tilespmem:s22+$0x530];
	_ =	sdelay $0x1  }
0x119: {  	[tilespmem:s22+$0x8490] =	vst v4  }
0x11a: {  	[tilespmem:s22+$0x8520] =	vst v3;
	v3 =	vld.idx.msk [tilespmem:v8+s3+$0x0], $0xffff;
	_ =	sdelay $0x2  }
0x11b: {  	[tilespmem:s21+$0x84A0] =	vst v13;
	v4 =	vld [tilespmem:s22+$0x538]  }
0x11c: {  	v1 =	vld.idx.msk [tilespmem:v1+s3+$0x0], $0xffff  }
0x11d: {  	v5 =	vld.idx.msk [tilespmem:v5+s3+$0x0], $0xffff;
	[tilespmem:s22+$0x84A0] =	vst v3  }
0x11e: {  	v3 =	vld.idx.msk [tilespmem:v6+s3+$0x0], $0xffff;
	_ =	sdelay $0x1  }
0x11f: {  	[tilespmem:s20+$0x84B0] =	vst v12  }
0x120: {  	v0 =	vld.idx.msk [tilespmem:v0+s3+$0x0], $0xffff;
	[tilespmem:s21+$0x84B0] =	vst v1  }
0x121: {  	v1 =	vld.idx.msk [tilespmem:v2+s3+$0x0], $0xffff;
	[tilespmem:s22+$0x8530] =	vst v5  }
0x122: {  	v4 =	vld.idx.msk [tilespmem:v4+s3+$0x0], $0xffff;
	[tilespmem:s22+$0x84B0] =	vst v3  }
0x123: {  	v2 =	vld.idx.msk [tilespmem:v11+s3+$0x0], $0xffff  }
0x124: {  	[tilespmem:s19+$0x84B8] =	vst v9  }
0x125: {  	[tilespmem:s20+$0x84B8] =	vst v0  }
0x126: {  	[tilespmem:s21+$0x84B8] =	vst v1  }
0x127: {  	[tilespmem:s22+$0x8538] =	vst v4  }
0x128: {  	s24 =	simm.s32 $0x0;
	[tilespmem:s22+$0x84B8] =	vst v2  }
0x129: {  	[hbm4b:s6+s24] =	stream.linear.scatter [tilespmem:s13], [sflag:$0x3], $0x4000, $0x38;
	[tilespmem:$0x10080] =	vst v63  }
0x12a: {  	_ =	swait.ge [sflag:s14], $0x4000  }
0x12b: {  	s25 =	sand.u32 $0x3800, s24;
	s19 =	sand.u32 $0x300, s24;
	[sflag:s14] =	ssyncset.done $0x0  }
0x12c: {  	s19 =	sor.u32 s19, s25;
	[sflag:s14] =	ssyncadd.s32 $0xFFFFC000  }
0x12d: {  	v1 =	vld [tilespmem:s19+$0x4080];
	_ =	sdelay $0x1  }
0x12e: {  	v0 =	vld [tilespmem:s19+$0x4100];
	_ =	sdelay $0x2  }
0x12f: {  	v2 =	vld [tilespmem:s19+$0x4110]  }
0x130: {  	v3 =	vld [tilespmem:s19+$0x4090]  }
0x131: {  	v4 =	vld [tilespmem:s19+$0x40A0]  }
0x132: {  	v1 =	vld.idx.msk [tilespmem:v1+s3+$0x0], $0xffff  }
0x133: {  	v5 =	vld [tilespmem:s19+$0x40B0]  }
0x134: {  	v0 =	vld.idx.msk [tilespmem:v0+s3+$0x0], $0xffff  }
0x135: {  	v6 =	vld [tilespmem:s19+$0x40C0]  }
0x136: {  	v7 =	vld [tilespmem:s19+$0x40D0]  }
0x137: {  	v8 =	vld [tilespmem:s19+$0x40E0];
	[tilespmem:s19+$0xC080] =	vst v1  }
0x138: {  	v1 =	vld.idx.msk [tilespmem:v3+s3+$0x0], $0xffff  }
0x139: {  	s26 =	simm.s32 $0x100;
	s28 =	simm.s32 $0x200;
	[tilespmem:s19+$0xC100] =	vst v0;
	v0 =	vld [tilespmem:s19+$0x4120]  }
0x13a: {  	s20 =	sand.u32 $0x300, s26;
	s21 =	sand.u32 $0x3800, s28;
	v9 =	vld [tilespmem:s19+$0x40F0]  }
0x13b: {  	s20 =	sor.u32 s20, s21;
	v2 =	vld.idx.msk [tilespmem:v2+s3+$0x0], $0xffff  }
0x13c: {  	v11 =	vld [tilespmem:s20+$0x4090]  }
0x13d: {  	v12 =	vld [tilespmem:s20+$0x40A0];
	[tilespmem:s19+$0xC090] =	vst v1  }
0x13e: {  	v1 =	vld.idx.msk [tilespmem:v4+s3+$0x0], $0xffff  }
0x13f: {  	v13 =	vld [tilespmem:s20+$0x40B0]  }
0x140: {  	[tilespmem:s19+$0xC110] =	vst v2;
	v2 =	vld [tilespmem:s19+$0x4130]  }
0x141: {  	v0 =	vld.idx.msk [tilespmem:v0+s3+$0x0], $0xffff  }
0x142: {  	v14 =	vld [tilespmem:s20+$0x4110]  }
0x143: {  	v15 =	vld [tilespmem:s20+$0x40C0];
	[tilespmem:s19+$0xC0A0] =	vst v1  }
0x144: {  	v1 =	vld.idx.msk [tilespmem:v5+s3+$0x0], $0xffff  }
0x145: {  	v16 =	vld [tilespmem:s20+$0x40D0]  }
0x146: {  	s29 =	simm.s32 $0x200;
	s30 =	simm.s32 $0x400;
	[tilespmem:s19+$0xC120] =	vst v0;
	v0 =	vld [tilespmem:s19+$0x4140]  }
0x147: {  	s21 =	sand.u32 $0x300, s29;
	s22 =	sand.u32 $0x3800, s30;
	v17 =	vld [tilespmem:s20+$0x40F0]  }
0x148: {  	s21 =	sor.u32 s21, s22;
	v2 =	vld.idx.msk [tilespmem:v2+s3+$0x0], $0xffff  }
0x149: {  	v18 =	vld [tilespmem:s21+$0x40B0];
	[tilespmem:s19+$0xC0B0] =	vst v1  }
0x14a: {  	v6 =	vld.idx.msk [tilespmem:v6+s3+$0x0], $0xffff  }
0x14b: {  	v19 =	vld [tilespmem:s21+$0x4110]  }
0x14c: {  	v3 =	vld [tilespmem:s19+$0x4150]  }
0x14d: {  	v20 =	vld [tilespmem:s21+$0x40C0];
	[tilespmem:s19+$0xC130] =	vst v2  }
0x14e: {  	v0 =	vld.idx.msk [tilespmem:v0+s3+$0x0], $0xffff  }
0x14f: {  	s31 =	simm.s32 $0x300;
	s23 =	simm.s32 $0x600;
	v21 =	vld [tilespmem:s21+$0x40D0];
	[tilespmem:s19+$0xC0C0] =	vst v6  }
0x150: {  	s23 =	sand.u32 $0x3800, s23;
	s22 =	sand.u32 $0x300, s31;
	v6 =	vld.idx.msk [tilespmem:v7+s3+$0x0], $0xffff  }
0x151: {  	s22 =	sor.u32 s22, s23;
	v22 =	vld [tilespmem:s21+$0x40F0]  }
0x152: {  	v61 =	vld [tilespmem:s22+$0x40C0]  }
0x153: {  	v23 =	vld [tilespmem:s22+$0x40D0];
	[tilespmem:s19+$0xC140] =	vst v0  }
0x154: {  	v10 =	vld.idx.msk [tilespmem:v3+s3+$0x0], $0xffff  }
0x155: {  	v0 =	vld [tilespmem:s19+$0x4160];
	[tilespmem:s19+$0xC0D0] =	vst v6  }
0x156: {  	v6 =	vld.idx.msk [tilespmem:v8+s3+$0x0], $0xffff  }
0x157: {  	v8 =	vld [tilespmem:s20+$0x4100]  }
0x158: {  	v24 =	vld [tilespmem:s21+$0x4520]  }
0x159: {  	[tilespmem:s19+$0xC150] =	vst v10;
	v10 =	vld [tilespmem:s20+$0x4080]  }
0x15a: {  	v63 =	vld [tilespmem:s22+$0x4140]  }
0x15b: {  	v4 =	vld [tilespmem:s19+$0x4480]  }
0x15c: {  	v5 =	vld [tilespmem:s19+$0x4490]  }
0x15d: {  	v7 =	vld [tilespmem:s19+$0x4170]  }
0x15e: {  	v0 =	vld.idx.msk [tilespmem:v0+s3+$0x0], $0xffff  }
0x15f: {  	v8 =	vld.idx.msk [tilespmem:v8+s3+$0x0], $0xffff  }
0x160: {  	v1 =	vld [tilespmem:s19+$0x44A0]  }
0x161: {  	v10 =	vld.idx.msk [tilespmem:v10+s3+$0x0], $0xffff  }
0x162: {  	v2 =	vld [tilespmem:s19+$0x44B0]  }
0x163: {  	[tilespmem:s19+$0xC160] =	vst v0;
	v0 =	vld [tilespmem:s19+$0x4500]  }
0x164: {  	[tilespmem:s20+$0xC100] =	vst v8;
	v8 =	vld [tilespmem:s20+$0x4120]  }
0x165: {  	v7 =	vld.idx.msk [tilespmem:v7+s3+$0x0], $0xffff  }
0x166: {  	[tilespmem:s20+$0xC080] =	vst v10;
	v10 =	vld.idx.msk [tilespmem:v14+s3+$0x0], $0xffff  }
0x167: {  	v3 =	vld [tilespmem:s19+$0x44B8];
	[tilespmem:s19+$0xC0E0] =	vst v6  }
0x168: {  	v9 =	vld.idx.msk [tilespmem:v9+s3+$0x0], $0xffff  }
0x169: {  	v11 =	vld.idx.msk [tilespmem:v11+s3+$0x0], $0xffff  }
0x16a: {  	[tilespmem:s19+$0xC170] =	vst v7;
	v7 =	vld [tilespmem:s19+$0x4510]  }
0x16b: {  	[tilespmem:s20+$0xC110] =	vst v10;
	v10 =	vld [tilespmem:s20+$0x4130]  }
0x16c: {  	v8 =	vld.idx.msk [tilespmem:v8+s3+$0x0], $0xffff  }
0x16d: {  	[tilespmem:s19+$0xC0F0] =	vst v9;
	v0 =	vld.idx.msk [tilespmem:v0+s3+$0x0], $0xffff  }
0x16e: {  	v9 =	vld [tilespmem:s20+$0x44B0];
	[tilespmem:s20+$0xC090] =	vst v11  }
0x16f: {  	v6 =	vld.idx.msk [tilespmem:v12+s3+$0x0], $0xffff  }
0x170: {  	v4 =	vld.idx.msk [tilespmem:v4+s3+$0x0], $0xffff  }
0x171: {  	[tilespmem:s20+$0xC120] =	vst v8;
	v8 =	vld [tilespmem:s20+$0x4140]  }
0x172: {  	[tilespmem:s19+$0xC500] =	vst v0;
	v0 =	vld [tilespmem:s19+$0x4520]  }
0x173: {  	v10 =	vld.idx.msk [tilespmem:v10+s3+$0x0], $0xffff  }
0x174: {  	v7 =	vld.idx.msk [tilespmem:v7+s3+$0x0], $0xffff;
	[tilespmem:s20+$0xC0A0] =	vst v6  }
0x175: {  	v6 =	vld.idx.msk [tilespmem:v13+s3+$0x0], $0xffff  }
0x176: {  	v14 =	vld [tilespmem:s20+$0x40E0];
	[tilespmem:s19+$0xC480] =	vst v4  }
0x177: {  	v5 =	vld.idx.msk [tilespmem:v5+s3+$0x0], $0xffff  }
0x178: {  	[tilespmem:s20+$0xC130] =	vst v10;
	v10 =	vld [tilespmem:s20+$0x4150]  }
0x179: {  	[tilespmem:s19+$0xC510] =	vst v7;
	v8 =	vld.idx.msk [tilespmem:v8+s3+$0x0], $0xffff  }
0x17a: {  	v7 =	vld [tilespmem:s19+$0x4530];
	[tilespmem:s20+$0xC0B0] =	vst v6  }
0x17b: {  	v6 =	vld.idx.msk [tilespmem:v15+s3+$0x0], $0xffff  }
0x17c: {  	v12 =	vld [tilespmem:s20+$0x4480]  }
0x17d: {  	v0 =	vld.idx.msk [tilespmem:v0+s3+$0x0], $0xffff  }
0x17e: {  	[tilespmem:s20+$0xC140] =	vst v8;
	v8 =	vld [tilespmem:s20+$0x4160]  }
0x17f: {  	v13 =	vld [tilespmem:s20+$0x4490]  }
0x180: {  	[tilespmem:s20+$0xC0C0] =	vst v6;
	v10 =	vld.idx.msk [tilespmem:v10+s3+$0x0], $0xffff  }
0x181: {  	v4 =	vld.idx.msk [tilespmem:v16+s3+$0x0], $0xffff  }
0x182: {  	v15 =	vld [tilespmem:s20+$0x44A0];
	[tilespmem:s19+$0xC520] =	vst v0  }
0x183: {  	v7 =	vld.idx.msk [tilespmem:v7+s3+$0x0], $0xffff  }
0x184: {  	v6 =	vld [tilespmem:s20+$0x4170]  }
0x185: {  	[tilespmem:s20+$0xC150] =	vst v10;
	v10 =	vld [tilespmem:s21+$0x4080]  }
0x186: {  	[tilespmem:s20+$0xC0D0] =	vst v4;
	v4 =	vld.idx.msk [tilespmem:v8+s3+$0x0], $0xffff  }
0x187: {  	v0 =	vld [tilespmem:s19+$0x4538]  }
0x188: {  	[tilespmem:s19+$0xC530] =	vst v7;
	v7 =	vld.idx.msk [tilespmem:v14+s3+$0x0], $0xffff  }
0x189: {  	v8 =	vld [tilespmem:s21+$0x4100]  }
0x18a: {  	v14 =	vld [tilespmem:s21+$0x4090]  }
0x18b: {  	[tilespmem:s20+$0xC160] =	vst v4;
	v4 =	vld [tilespmem:s20+$0x4500]  }
0x18c: {  	v6 =	vld.idx.msk [tilespmem:v6+s3+$0x0], $0xffff  }
0x18d: {  	v10 =	vld.idx.msk [tilespmem:v10+s3+$0x0], $0xffff  }
0x18e: {  	v16 =	vld [tilespmem:s21+$0x40A0]  }
0x18f: {  	v11 =	vld.idx.msk [tilespmem:v0+s3+$0x0], $0xffff  }
0x190: {  	v0 =	vld [tilespmem:s20+$0x44B8]  }
0x191: {  	v8 =	vld.idx.msk [tilespmem:v8+s3+$0x0], $0xffff;
	[tilespmem:s20+$0xC170] =	vst v6  }
0x192: {  	v6 =	vld [tilespmem:s20+$0x4510];
	[tilespmem:s21+$0xC080] =	vst v10  }
0x193: {  	v14 =	vld.idx.msk [tilespmem:v14+s3+$0x0], $0xffff  }
0x194: {  	v4 =	vld.idx.msk [tilespmem:v4+s3+$0x0], $0xffff  }
0x195: {  	[tilespmem:s19+$0xC538] =	vst v11;
	v11 =	vld [tilespmem:s22+$0x44B8]  }
0x196: {  	[tilespmem:s21+$0xC100] =	vst v8;
	v8 =	vld [tilespmem:s21+$0x4120]  }
0x197: {  	[tilespmem:s20+$0xC0E0] =	vst v7;
	v10 =	vld.idx.msk [tilespmem:v19+s3+$0x0], $0xffff  }
0x198: {  	[tilespmem:s21+$0xC090] =	vst v14;
	v14 =	vld.idx.msk [tilespmem:v17+s3+$0x0], $0xffff  }
0x199: {  	[tilespmem:s20+$0xC500] =	vst v4;
	v4 =	vld [tilespmem:s20+$0x4520]  }
0x19a: {  	v7 =	vld.idx.msk [tilespmem:v16+s3+$0x0], $0xffff  }
0x19b: {  	v6 =	vld.idx.msk [tilespmem:v6+s3+$0x0], $0xffff  }
0x19c: {  	[tilespmem:s21+$0xC110] =	vst v10;
	v10 =	vld [tilespmem:s21+$0x4130]  }
0x19d: {  	v19 =	vld [tilespmem:s21+$0x40E0]  }
0x19e: {  	v8 =	vld.idx.msk [tilespmem:v8+s3+$0x0], $0xffff  }
0x19f: {  	v16 =	vld [tilespmem:s21+$0x4480];
	[tilespmem:s20+$0xC0F0] =	vst v14  }
0x1a0: {  	[tilespmem:s21+$0xC0A0] =	vst v7;
	v7 =	vld.idx.msk [tilespmem:v12+s3+$0x0], $0xffff  }
0x1a1: {  	[tilespmem:s20+$0xC510] =	vst v6;
	v6 =	vld [tilespmem:s20+$0x4530]  }
0x1a2: {  	v4 =	vld.idx.msk [tilespmem:v4+s3+$0x0], $0xffff  }
0x1a3: {  	[tilespmem:s21+$0xC120] =	vst v8;
	v8 =	vld [tilespmem:s21+$0x4140]  }
0x1a4: {  	[tilespmem:s19+$0xC490] =	vst v5;
	v5 =	vld.idx.msk [tilespmem:v10+s3+$0x0], $0xffff  }
0x1a5: {  	v10 =	vld.idx.msk [tilespmem:v1+s3+$0x0], $0xffff  }
0x1a6: {  	v1 =	vld.idx.msk [tilespmem:v18+s3+$0x0], $0xffff;
	[tilespmem:s20+$0xC480] =	vst v7  }
0x1a7: {  	v7 =	vld.idx.msk [tilespmem:v13+s3+$0x0], $0xffff  }
0x1a8: {  	[tilespmem:s20+$0xC520] =	vst v4;
	v4 =	vld [tilespmem:s20+$0x4538]  }
0x1a9: {  	[tilespmem:s21+$0xC130] =	vst v5;
	v5 =	vld [tilespmem:s21+$0x4150]  }
0x1aa: {  	v6 =	vld.idx.msk [tilespmem:v6+s3+$0x0], $0xffff  }
0x1ab: {  	v8 =	vld.idx.msk [tilespmem:v8+s3+$0x0], $0xffff  }
0x1ac: {  	v12 =	vld [tilespmem:s21+$0x4490];
	[tilespmem:s21+$0xC0B0] =	vst v1  }
0x1ad: {  	v14 =	vld.idx.msk [tilespmem:v20+s3+$0x0], $0xffff  }
0x1ae: {  	v13 =	vld [tilespmem:s21+$0x44A0];
	[tilespmem:s20+$0xC490] =	vst v7  }
0x1af: {  	v7 =	vld [tilespmem:s22+$0x4100];
	[tilespmem:s20+$0xC530] =	vst v6  }
0x1b0: {  	[tilespmem:s21+$0xC140] =	vst v8;
	v8 =	vld [tilespmem:s21+$0x4160]  }
0x1b1: {  	v17 =	vld.idx.msk [tilespmem:v4+s3+$0x0], $0xffff  }
0x1b2: {  	[tilespmem:s21+$0xC0C0] =	vst v14;
	v5 =	vld.idx.msk [tilespmem:v5+s3+$0x0], $0xffff  }
0x1b3: {  	v4 =	vld.idx.msk [tilespmem:v21+s3+$0x0], $0xffff  }
0x1b4: {  	v1 =	vld [tilespmem:s21+$0x44B0]  }
0x1b5: {  	[tilespmem:s19+$0xC4A0] =	vst v10;
	v10 =	vld [tilespmem:s22+$0x4090]  }
0x1b6: {  	v60 =	vld.idx.msk [tilespmem:v2+s3+$0x0], $0xffff  }
0x1b7: {  	[tilespmem:s21+$0xC150] =	vst v5;
	v5 =	vld [tilespmem:s21+$0x4170]  }
0x1b8: {  	[tilespmem:s21+$0xC0D0] =	vst v4;
	v4 =	vld.idx.msk [tilespmem:v8+s3+$0x0], $0xffff  }
0x1b9: {  	v8 =	vld [tilespmem:s22+$0x4080]  }
0x1ba: {  	v2 =	vld [tilespmem:s21+$0x44B8]  }
0x1bb: {  	v7 =	vld.idx.msk [tilespmem:v7+s3+$0x0], $0xffff  }
0x1bc: {  	v6 =	vld.idx.msk [tilespmem:v19+s3+$0x0], $0xffff  }
0x1bd: {  	[tilespmem:s21+$0xC160] =	vst v4;
	v4 =	vld [tilespmem:s21+$0x4500]  }
0x1be: {  	v19 =	vld [tilespmem:s22+$0x4110]  }
0x1bf: {  	v5 =	vld.idx.msk [tilespmem:v5+s3+$0x0], $0xffff  }
0x1c0: {  	v18 =	vld.idx.msk [tilespmem:v15+s3+$0x0], $0xffff  }
0x1c1: {  	v8 =	vld.idx.msk [tilespmem:v8+s3+$0x0], $0xffff  }
0x1c2: {  	v15 =	vld [tilespmem:s22+$0x40B0]  }
0x1c3: {  	[tilespmem:s22+$0xC100] =	vst v7;
	v7 =	vld [tilespmem:s22+$0x4120]  }
0x1c4: {  	[tilespmem:s21+$0xC170] =	vst v5;
	v5 =	vld [tilespmem:s21+$0x4510]  }
0x1c5: {  	v4 =	vld.idx.msk [tilespmem:v4+s3+$0x0], $0xffff  }
0x1c6: {  	[tilespmem:s22+$0xC080] =	vst v8;
	v8 =	vld.idx.msk [tilespmem:v19+s3+$0x0], $0xffff  }
0x1c7: {  	v14 =	vld [tilespmem:s22+$0x40A0]  }
0x1c8: {  	v19 =	vld.idx.msk [tilespmem:v10+s3+$0x0], $0xffff  }
0x1c9: {  	v10 =	vld [tilespmem:s22+$0x40E0]  }
0x1ca: {  	[tilespmem:s21+$0xC500] =	vst v4;
	v4 =	vld [tilespmem:s22+$0x40F0]  }
0x1cb: {  	[tilespmem:s22+$0xC110] =	vst v8;
	v8 =	vld [tilespmem:s22+$0x4130]  }
0x1cc: {  	v5 =	vld.idx.msk [tilespmem:v5+s3+$0x0], $0xffff  }
0x1cd: {  	v7 =	vld.idx.msk [tilespmem:v7+s3+$0x0], $0xffff  }
0x1ce: {  	[tilespmem:s22+$0xC090] =	vst v19;
	v19 =	vld [tilespmem:s21+$0x4530]  }
0x1cf: {  	[tilespmem:s21+$0xC0E0] =	vst v6;
	v6 =	vld.idx.msk [tilespmem:v14+s3+$0x0], $0xffff  }
0x1d0: {  	v14 =	vld.idx.msk [tilespmem:v22+s3+$0x0], $0xffff  }
0x1d1: {  	[tilespmem:s21+$0xC510] =	vst v5;
	v5 =	vld [tilespmem:s22+$0x4480]  }
0x1d2: {  	v62 =	vld.idx.msk [tilespmem:v24+s3+$0x0], $0xffff  }
0x1d3: {  	[tilespmem:s22+$0xC120] =	vst v7;
	v7 =	vld [tilespmem:s22+$0x4490]  }
0x1d4: {  	[tilespmem:s22+$0xC0A0] =	vst v6;
	v6 =	vld.idx.msk [tilespmem:v8+s3+$0x0], $0xffff  }
0x1d5: {  	[tilespmem:s21+$0xC0F0] =	vst v14;
	v8 =	vld.idx.msk [tilespmem:v15+s3+$0x0], $0xffff  }
0x1d6: {  	v14 =	vld.idx.msk [tilespmem:v16+s3+$0x0], $0xffff  }
0x1d7: {  	v15 =	vld [tilespmem:s21+$0x4538];
	[tilespmem:s21+$0xC520] =	vst v62  }
0x1d8: {  	v16 =	vld.idx.msk [tilespmem:v19+s3+$0x0], $0xffff  }
0x1d9: {  	[tilespmem:s22+$0xC130] =	vst v6;
	v19 =	vld [tilespmem:s22+$0x4150]  }
0x1da: {  	[tilespmem:s22+$0xC0B0] =	vst v8;
	v8 =	vld [tilespmem:s22+$0x44A0]  }
0x1db: {  	v6 =	vld.idx.msk [tilespmem:v63+s3+$0x0], $0xffff  }
0x1dc: {  	[tilespmem:s21+$0xC480] =	vst v14;
	v21 =	vld.idx.msk [tilespmem:v61+s3+$0x0], $0xffff  }
0x1dd: {  	v12 =	vld.idx.msk [tilespmem:v12+s3+$0x0], $0xffff  }
0x1de: {  	v14 =	vld [tilespmem:s22+$0x4160];
	[tilespmem:s21+$0xC530] =	vst v16  }
0x1df: {  	[tilespmem:s19+$0xC4B0] =	vst v60;
	v16 =	vld.idx.msk [tilespmem:v15+s3+$0x0], $0xffff  }
0x1e0: {  	[tilespmem:s22+$0xC140] =	vst v6;
	v6 =	vld [tilespmem:s22+$0x44B0]  }
0x1e1: {  	[tilespmem:s22+$0xC0C0] =	vst v21;
	v19 =	vld.idx.msk [tilespmem:v19+s3+$0x0], $0xffff  }
0x1e2: {  	[tilespmem:s21+$0xC490] =	vst v12;
	v15 =	vld.idx.msk [tilespmem:v23+s3+$0x0], $0xffff  }
0x1e3: {  	[tilespmem:s20+$0xC4A0] =	vst v18;
	v13 =	vld.idx.msk [tilespmem:v13+s3+$0x0], $0xffff  }
0x1e4: {  	[tilespmem:s20+$0xC538] =	vst v17;
	v12 =	vld.idx.msk [tilespmem:v9+s3+$0x0], $0xffff  }
0x1e5: {  	v9 =	vld.idx.msk [tilespmem:v3+s3+$0x0], $0xffff;
	[tilespmem:s21+$0xC538] =	vst v16  }
0x1e6: {  	s25 =	simm.s32 $0x800;
	s24 =	simm.s32 $0x400;
	s23 =	simm.s32 $0x6;
	v16 =	vld [tilespmem:s22+$0x4170];
	[tilespmem:s22+$0xC150] =	vst v19  }
.LBB2_4:
0x1e7: {  	s26 =	sand.u32 $0x3800, s25;
	s28 =	sand.u32 $0x300, s24;
	s23 =	sadd.s32 $0x2, s23;
	[tilespmem:s22+$0xC0D0] =	vst v15;
	v14 =	vld.idx.msk [tilespmem:v14+s3+$0x0], $0xffff  }
0x1e8: {  	s26 =	sor.u32 s28, s26;
	p0 =	slt.u32 s23, $0x3E;
	v10 =	vld.idx.msk [tilespmem:v10+s3+$0x0], $0xffff;
	[tilespmem:s21+$0xC4A0] =	vst v13  }
0x1e9: {  	v13 =	vld [tilespmem:s26+$0x4100];
	[tilespmem:s20+$0xC4B0] =	vst v12;
	v3 =	vmov v11  }
0x1ea: {  	v11 =	vld [tilespmem:s26+$0x4080]  }
0x1eb: {  	v12 =	vld [tilespmem:s26+$0x4090];
	[tilespmem:s19+$0xC4B8] =	vst v9;
	s19 =	smov.u32 s20;
	s20 =	smov.u32 s21;
	s21 =	smov.u32 s22  }
0x1ec: {  	s22 =	smov.u32 s26;
	v9 =	vld [tilespmem:s26+$0x40A0]  }
0x1ed: {  	[tilespmem:s21+$0xC160] =	vst v14;
	v14 =	vld [tilespmem:s21+$0x4500]  }
0x1ee: {  	[tilespmem:s21+$0xC0E0] =	vst v10;
	v10 =	vld.idx.msk [tilespmem:v16+s3+$0x0], $0xffff  }
0x1ef: {  	v15 =	vld [tilespmem:s22+$0x40B0]  }
0x1f0: {  	v16 =	vld [tilespmem:s22+$0x4110]  }
0x1f1: {  	v13 =	vld.idx.msk [tilespmem:v13+s3+$0x0], $0xffff  }
0x1f2: {  	v11 =	vld.idx.msk [tilespmem:v11+s3+$0x0], $0xffff  }
0x1f3: {  	v17 =	vld [tilespmem:s22+$0x40C0]  }
0x1f4: {  	[tilespmem:s21+$0xC170] =	vst v10;
	v18 =	vld [tilespmem:s21+$0x4510]  }
0x1f5: {  	v14 =	vld.idx.msk [tilespmem:v14+s3+$0x0], $0xffff  }
0x1f6: {  	v19 =	vld [tilespmem:s22+$0x40D0]  }
0x1f7: {  	[tilespmem:s22+$0xC100] =	vst v13;
	v13 =	vld [tilespmem:s22+$0x4120]  }
0x1f8: {  	[tilespmem:s22+$0xC080] =	vst v11;
	v11 =	vld.idx.msk [tilespmem:v16+s3+$0x0], $0xffff  }
0x1f9: {  	v12 =	vld.idx.msk [tilespmem:v12+s3+$0x0], $0xffff  }
0x1fa: {  	v10 =	vld [tilespmem:s22+$0x40E0]  }
0x1fb: {  	[tilespmem:s21+$0xC500] =	vst v14;
	v14 =	vld [tilespmem:s21+$0x4520]  }
0x1fc: {  	v16 =	vld.idx.msk [tilespmem:v18+s3+$0x0], $0xffff  }
0x1fd: {  	v18 =	vld [tilespmem:s22+$0x40F0]  }
0x1fe: {  	[tilespmem:s22+$0xC110] =	vst v11;
	v11 =	vld [tilespmem:s22+$0x4130]  }
0x1ff: {  	[tilespmem:s22+$0xC090] =	vst v12;
	v12 =	vld.idx.msk [tilespmem:v13+s3+$0x0], $0xffff  }
0x200: {  	v9 =	vld.idx.msk [tilespmem:v9+s3+$0x0], $0xffff  }
0x201: {  	v13 =	vld.idx.msk [tilespmem:v4+s3+$0x0], $0xffff  }
0x202: {  	[tilespmem:s21+$0xC510] =	vst v16;
	v16 =	vld [tilespmem:s21+$0x4530];
	v4 =	vmov v18  }
0x203: {  	v14 =	vld.idx.msk [tilespmem:v14+s3+$0x0], $0xffff  }
0x204: {  	v18 =	vld [tilespmem:s22+$0x4480]  }
0x205: {  	[tilespmem:s22+$0xC120] =	vst v12;
	v12 =	vld [tilespmem:s22+$0x4140]  }
0x206: {  	[tilespmem:s22+$0xC0A0] =	vst v9;
	v9 =	vld.idx.msk [tilespmem:v11+s3+$0x0], $0xffff  }
0x207: {  	v11 =	vld.idx.msk [tilespmem:v15+s3+$0x0], $0xffff;
	[tilespmem:s21+$0xC0F0] =	vst v13  }
0x208: {  	v13 =	vld.idx.msk [tilespmem:v5+s3+$0x0], $0xffff  }
0x209: {  	[tilespmem:s21+$0xC520] =	vst v14;
	v14 =	vld [tilespmem:s21+$0x4538];
	v5 =	vmov v18  }
0x20a: {  	v15 =	vld.idx.msk [tilespmem:v16+s3+$0x0], $0xffff  }
0x20b: {  	v16 =	vld [tilespmem:s22+$0x4490]  }
0x20c: {  	[tilespmem:s22+$0xC130] =	vst v9;
	v9 =	vld [tilespmem:s22+$0x4150]  }
0x20d: {  	[tilespmem:s22+$0xC0B0] =	vst v11;
	v11 =	vld.idx.msk [tilespmem:v12+s3+$0x0], $0xffff  }
0x20e: {  	v12 =	vld.idx.msk [tilespmem:v17+s3+$0x0], $0xffff;
	[tilespmem:s21+$0xC480] =	vst v13  }
0x20f: {  	v13 =	vld.idx.msk [tilespmem:v7+s3+$0x0], $0xffff  }
0x210: {  	v17 =	vld [tilespmem:s22+$0x44A0];
	[tilespmem:s21+$0xC530] =	vst v15;
	v7 =	vmov v16  }
0x211: {  	v16 =	vld.idx.msk [tilespmem:v14+s3+$0x0], $0xffff  }
0x212: {  	v18 =	vld [tilespmem:s22+$0x44B0]  }
0x213: {  	[tilespmem:s22+$0xC140] =	vst v11;
	v14 =	vld [tilespmem:s22+$0x4160]  }
0x214: {  	[tilespmem:s22+$0xC0C0] =	vst v12;
	v20 =	vld.idx.msk [tilespmem:v9+s3+$0x0], $0xffff  }
0x215: {  	v15 =	vld.idx.msk [tilespmem:v19+s3+$0x0], $0xffff;
	[tilespmem:s21+$0xC490] =	vst v13  }
.Ltmp1:
0x216: {  	v13 =	vld.idx.msk [tilespmem:v8+s3+$0x0], $0xffff;
	v8 =	vmov v17;
	(pc) =	sbr.rel @p0 .LBB2_4-.Ltmp1, $4  }
0x217: {  	[tilespmem:s21+$0xC538] =	vst v16;
	v12 =	vld.idx.msk [tilespmem:v1+s3+$0x0], $0xffff;
	v1 =	vmov v6;
	v6 =	vmov v18  }
0x218: {  	v11 =	vld [tilespmem:s22+$0x44B8]  }
0x219: {  	v9 =	vld.idx.msk [tilespmem:v0+s3+$0x0], $0xffff;
	v0 =	vmov v2;
	v2 =	vmov v3  }
0x21a: {  	s24 =	sadd.s32 $0x100, s24;
	s25 =	sadd.s32 $0x200, s25;
	[tilespmem:s22+$0xC150] =	vst v20;
	v16 =	vld [tilespmem:s22+$0x4170]  }
0x21b: {  	_ =	sdelay $0x3  }
0x21c: {  	v3 =	vld.idx.msk [tilespmem:v14+s3+$0x0], $0xffff;
	[tilespmem:s22+$0xC0D0] =	vst v15  }
0x21d: {  	v10 =	vld.idx.msk [tilespmem:v10+s3+$0x0], $0xffff;
	_ =	sdelay $0x2  }
0x21e: {  	v55 =	vld [tilespmem:s22+$0x4500]  }
0x21f: {  	[tilespmem:s22+$0xC160] =	vst v3  }
0x220: {  	v56 =	vld.idx.msk [tilespmem:v16+s3+$0x0], $0xffff;
	[tilespmem:s22+$0xC0E0] =	vst v10  }
0x221: {  	v4 =	vld.idx.msk [tilespmem:v4+s3+$0x0], $0xffff;
	_ =	sdelay $0x2  }
0x222: {  	v57 =	vld [tilespmem:s22+$0x4510]  }
0x223: {  	[tilespmem:s22+$0xC170] =	vst v56  }
0x224: {  	v3 =	vld.idx.msk [tilespmem:v55+s3+$0x0], $0xffff;
	[tilespmem:s22+$0xC0F0] =	vst v4  }
0x225: {  	v4 =	vld.idx.msk [tilespmem:v5+s3+$0x0], $0xffff;
	_ =	sdelay $0x2  }
0x226: {  	v58 =	vld [tilespmem:s22+$0x4520]  }
0x227: {  	[tilespmem:s22+$0xC500] =	vst v3  }
0x228: {  	v59 =	vld.idx.msk [tilespmem:v57+s3+$0x0], $0xffff;
	[tilespmem:s22+$0xC480] =	vst v4  }
0x229: {  	v4 =	vld.idx.msk [tilespmem:v7+s3+$0x0], $0xffff;
	_ =	sdelay $0x2  }
0x22a: {  	v60 =	vld [tilespmem:s22+$0x4530]  }
0x22b: {  	[tilespmem:s22+$0xC510] =	vst v59  }
0x22c: {  	v3 =	vld.idx.msk [tilespmem:v58+s3+$0x0], $0xffff;
	[tilespmem:s22+$0xC490] =	vst v4  }
0x22d: {  	v61 =	vld.idx.msk [tilespmem:v8+s3+$0x0], $0xffff;
	_ =	sdelay $0x2  }
0x22e: {  	v62 =	vld [tilespmem:s22+$0x4538];
	[tilespmem:s21+$0xC4A0] =	vst v13  }
0x22f: {  	v1 =	vld.idx.msk [tilespmem:v1+s3+$0x0], $0xffff;
	[tilespmem:s22+$0xC520] =	vst v3  }
0x230: {  	v5 =	vld.idx.msk [tilespmem:v60+s3+$0x0], $0xffff;
	[tilespmem:s22+$0xC4A0] =	vst v61  }
0x231: {  	v3 =	vld.idx.msk [tilespmem:v6+s3+$0x0], $0xffff;
	_ =	sdelay $0x1  }
0x232: {  	[tilespmem:s20+$0xC4B0] =	vst v12  }
0x233: {  	v0 =	vld.idx.msk [tilespmem:v0+s3+$0x0], $0xffff;
	[tilespmem:s21+$0xC4B0] =	vst v1  }
0x234: {  	v1 =	vld.idx.msk [tilespmem:v2+s3+$0x0], $0xffff;
	[tilespmem:s22+$0xC530] =	vst v5  }
0x235: {  	v4 =	vld.idx.msk [tilespmem:v62+s3+$0x0], $0xffff;
	[tilespmem:s22+$0xC4B0] =	vst v3  }
0x236: {  	v63 =	vld.idx.msk [tilespmem:v11+s3+$0x0], $0xffff  }
0x237: {  	[tilespmem:s19+$0xC4B8] =	vst v9  }
0x238: {  	[tilespmem:s20+$0xC4B8] =	vst v0  }
0x239: {  	[tilespmem:s21+$0xC4B8] =	vst v1  }
0x23a: {  	[tilespmem:s22+$0xC538] =	vst v4  }
0x23b: {  	s18 =	sadd.s32 $0x1, s18;
	[tilespmem:s22+$0xC4B8] =	vst v63  }
0x23c: {  	[hbm4b:s7+s3] =	stream.linear.scatter [tilespmem:s15], [sflag:$0x4], $0x4000, $0x38;
	[tilespmem:$0x10080] =	vst v63  }
0x23d: {  	p0 =	sne.s32 s18, s8;
	_ =	swait.ge [sflag:s16], $0x4000  }
.Ltmp2:
0x23e: {  	[sflag:s16] =	ssyncset.done $0x0;
	(pc) =	sbr.rel @p0 .LBB2_1-.Ltmp2, $4  }
0x23f: {  	[sflag:s16] =	ssyncadd.s32 $0xFFFFC000  }
0x240: {  	_ =	swait.ge [sflag:s17], $0x4000  }
0x241: {  	[sflag:s17] =	ssyncset.done $0x0  }
0x242: {  	[sflag:s17] =	ssyncadd.s32 $0xFFFFC000  }
0x243: {  	_ =	sfence.sel $0x180000  }
0x244: {  	[bflag:$0x0] =	sbarrier.arrive $0xFFFF  }
0x245: {  	p0 =	sne.s32 s2, $0x0;
	_ =	strace $0x90000047  }
0x246: {  	s0 =	sadd.s32 @!p0 $0x100000, s0;
	[bflag:$0x2] =	sbarrier.arrive $0xFFFF  }
0x247: {  	[sflag:s0] =	ssyncadd.tile.s32 @!p0 $0x1;
	_ =	shalt  }
.Lfunc_end2:
_tile_overlayer_lowered:
.L_overlay_start_2:
0x248: {  	(tag) =	ssettag $0x2  }
0x249: {  	s0 =	rddreg [dreg:$0x0];
	s2 =	stileid.u32  }
0x24a: {  	s1 =	rddreg [dreg:$0x1];
	p0 =	sne.s32 s2, $0x0  }
0x24b: {  	s3 =	rddreg [dreg:$0x2];
	[bflag:$0x3] =	sbarrier.arrive $0xFFFF;
	s2 =	simm.s32 @!p0 $0x1C05  }
0x24c: {  	[timem:s3], [sflag:s2] =	dma.local @!p0 [hbm:s0], s1  }
0x24d: {  	s0 =	simm.s32 @!p0 $0x5  }
0x24e: {  	_ =	swait.ge @!p0 [sflag:s0], s1  }
0x24f: {  	s1 =	ssub.s32 @!p0 $0x0, s1;
	[sflag:s0] =	ssyncset.done @!p0 $0x0  }
0x250: {  	[sflag:s0] =	ssyncadd.s32 @!p0 s1  }
0x251: {  	[bflag:$0x3] =	sbarrier.arrive $0xFFFF  }
0x252: {  	_ =	shalt  }

</sc_bundles>
